<compile_context>
chip_gen: v7x
topology: tpu7x:2x2x1
jax: 0.10.2.dev20260603
libtpu: 0.0.44.dev20260713+nightly
codegen_flags: <defaults>
</compile_context>

<pallas_src>
import functools

import jax
import jax.numpy as jnp
from jax import lax
from jax.experimental import pallas as pl
from jax.experimental.pallas import tpu as pltpu
from jax.experimental.pallas import tpu_sc as plsc

N_SAMPLES = 100000
NPC_DIM = 128
BATCH = 4096
TEMP = 0.07
CONST = 1e-12

_NC = 2
_NS = 16
_NW = _NC * _NS
_BPW = BATCH // _NW

_TN = 10000
_NT = N_SAMPLES // _TN


@functools.cache
def _get_sc_gather():
    mesh = plsc.VectorSubcoreMesh(core_axis_name="c", subcore_axis_name="s")

    @functools.partial(
        pl.kernel,
        mesh=mesh,
        out_type=[
            jax.ShapeDtypeStruct((BATCH,), jnp.int32),
            jax.ShapeDtypeStruct((BATCH, NPC_DIM), jnp.float32),
            jax.ShapeDtypeStruct((BATCH, NPC_DIM), jnp.float32),
            jax.ShapeDtypeStruct((BATCH, NPC_DIM), jnp.float32),
        ],
        scratch_types=[
            pltpu.VMEM((_BPW,), jnp.int32),
            pltpu.VMEM((_BPW,), jnp.int32),
            pltpu.VMEM((_BPW,), jnp.int32),
            pltpu.VMEM((_BPW,), jnp.int32),
            pltpu.VMEM((_BPW, NPC_DIM), jnp.float32),
            pltpu.VMEM((_BPW, NPC_DIM), jnp.float32),
            pltpu.VMEM((_BPW, NPC_DIM), jnp.float32),
            pltpu.SemaphoreType.DMA,
            pltpu.SemaphoreType.DMA,
        ],
    )
    def _sc_gather(index_hbm, lni_hbm, memory_hbm, flag_hbm, neighbors_hbm,
                   flags_out, rows_self_out, rows_ln_out, rows_nb_out,
                   idx_v, lni_v, nbi_v, flg_v, rs_v, rl_v, rn_v, sem_a, sem_b):
        wid = lax.axis_index("s") * _NC + lax.axis_index("c")
        base = wid * _BPW
        pltpu.sync_copy(index_hbm.at[pl.ds(base, _BPW)], idx_v)
        pltpu.sync_copy(lni_hbm.at[pl.ds(base, _BPW)], lni_v)
        c_nb = pltpu.async_copy(neighbors_hbm.at[idx_v], nbi_v, sem_a)
        c_fl = pltpu.async_copy(flag_hbm.at[idx_v], flg_v, sem_b)
        c_rs = pltpu.async_copy(memory_hbm.at[idx_v], rs_v, sem_b)
        c_rl = pltpu.async_copy(memory_hbm.at[lni_v], rl_v, sem_b)
        c_nb.wait()
        c_rn = pltpu.async_copy(memory_hbm.at[nbi_v], rn_v, sem_b)
        c_fl.wait()
        c_rs.wait()
        c_rl.wait()
        c_rn.wait()
        pltpu.sync_copy(flg_v, flags_out.at[pl.ds(base, _BPW)])
        pltpu.sync_copy(rs_v, rows_self_out.at[pl.ds(base, _BPW)])
        pltpu.sync_copy(rl_v, rows_ln_out.at[pl.ds(base, _BPW)])
        pltpu.sync_copy(rn_v, rows_nb_out.at[pl.ds(base, _BPW)])

    return _sc_gather


_LOG2E = 1.4426950408889634


def _stream_body(zp_ref, mem_ref, znt_ref, se_ref, znt_bf_ref, acc_ref):
    step = pl.program_id(0)

    @pl.when(step == 0)
    def _init():
        zp = zp_ref[...]
        nrm = jnp.sqrt(jnp.sum(zp * zp, axis=1, keepdims=True))
        znt = zp * (_LOG2E / TEMP) / jnp.maximum(nrm, 1e-12)
        znt_ref[...] = znt
        znt_bf_ref[...] = znt.astype(jnp.bfloat16)
        acc_ref[...] = jnp.zeros_like(acc_ref)

    znt_bf = znt_bf_ref[...]
    offs = []
    off = 0
    while off < _TN:
        offs.append((off, min(256, _TN - off)))
        off += 256

    def _sim(o, w):
        return lax.dot_general(znt_bf, mem_ref[o:o + w, :].astype(jnp.bfloat16),
                               (((1,), (1,)), ((), ())),
                               preferred_element_type=jnp.float32)

    def _consume(s, w):
        e = jnp.exp2(s)
        a = e[:, 0:min(128, w)]
        if w < 128:
            a = jnp.pad(a, ((0, 0), (0, 128 - w)))
        elif w > 128:
            b = e[:, 128:w]
            if w < 256:
                b = jnp.pad(b, ((0, 0), (0, 256 - w)))
            a = a + b
        return a

    t = jnp.zeros((BATCH, 128), dtype=jnp.float32)
    prev = None
    for (o, w) in offs:
        s = _sim(o, w)
        if prev is not None:
            t = t + _consume(*prev)
        prev = (s, w)
    t = t + _consume(*prev)
    acc_ref[...] += t

    @pl.when(step == _NT - 1)
    def _fin():
        se_ref[...] = jnp.sum(acc_ref[...], axis=1, keepdims=True)


_stream = pl.pallas_call(
    _stream_body,
    grid=(_NT,),
    in_specs=[
        pl.BlockSpec((BATCH, NPC_DIM), lambda i: (0, 0)),
        pl.BlockSpec((_TN, NPC_DIM), lambda i: (i, 0)),
    ],
    out_specs=[
        pl.BlockSpec((BATCH, NPC_DIM), lambda i: (0, 0)),
        pl.BlockSpec((BATCH, 1), lambda i: (0, 0)),
    ],
    out_shape=[
        jax.ShapeDtypeStruct((BATCH, NPC_DIM), jnp.float32),
        jax.ShapeDtypeStruct((BATCH, 1), jnp.float32),
    ],
    scratch_shapes=[pltpu.VMEM((BATCH, NPC_DIM), jnp.bfloat16),
                    pltpu.VMEM((BATCH, 128), jnp.float32)],
    compiler_params=pltpu.CompilerParams(
        dimension_semantics=("arbitrary",),
        vmem_limit_bytes=112 * 1024 * 1024,
    ),
)


def _loss_body(znt_ref, se_ref, flg_ref, rs_ref, rl_ref, rn_ref,
               inst_ref, anch_ref):
    znt = znt_ref[...]
    inv = 1.0 / se_ref[...]
    p_self = jnp.exp2(jnp.sum(znt * rs_ref[...], axis=1, keepdims=True)) * inv
    p_ln = jnp.exp2(jnp.sum(znt * rl_ref[...], axis=1, keepdims=True)) * inv
    p_nb = jnp.exp2(jnp.sum(znt * rn_ref[...], axis=1, keepdims=True)) * inv
    flg = flg_ref[...]
    inst_terms = jnp.log(p_self + p_ln + CONST)
    anch_terms = jnp.log(p_self + p_nb + p_ln + CONST)
    scale = -2.0 / BATCH
    inst = jnp.sum(jnp.where(flg < 0, inst_terms, 0.0)) * scale
    anch = jnp.sum(jnp.where(flg >= 0, anch_terms, 0.0)) * scale
    inst_ref[...] = inst[None, None]
    anch_ref[...] = anch[None, None]


_loss = pl.pallas_call(
    _loss_body,
    out_shape=[
        jax.ShapeDtypeStruct((1, 1), jnp.float32),
        jax.ShapeDtypeStruct((1, 1), jnp.float32),
    ],
)


def kernel(zp, index, local_neighbor_indices, memory, flag, neighbors):
    flags, rows_self, rows_ln, rows_nb = _get_sc_gather()(
        index, local_neighbor_indices, memory, flag, neighbors)
    znt, se = _stream(zp, memory)
    inst, anch = _loss(znt, se, flags.reshape(BATCH, 1),
                       rows_self, rows_ln, rows_nb)
    return (inst[0, 0], anch[0, 0])

# --- scband reference (transcript-rebuilt; emitter-appended) ---
"""Pipeline reference for scband-memory-cluster-9131100471655 (READ-ONLY COPY).

The authoritative reference and input builder live on the scoring server;
editing this copy changes nothing except your own understanding.
"""

import jax, jax.numpy as jnp
import numpy as np

N_SAMPLES = 100000
NPC_DIM = 128
BATCH = 4096
TEMP = 0.07
CONST = 1e-12


def _l2_normalize(x, eps=1e-12):
    norm = jnp.linalg.norm(x, ord=2, axis=1, keepdims=True)
    return x / jnp.maximum(norm, eps)


def setup_inputs(seed: int = 0) -> dict:
    key = jax.random.key(seed)
    k1, k2, k3, k4, k5, k6 = jax.random.split(key, 6)
    zp = jax.random.normal(k1, (BATCH, NPC_DIM), dtype=jnp.float32)
    index = jax.random.randint(k2, (BATCH,), 0, N_SAMPLES, dtype=jnp.int32)
    local_neighbor_indices = jax.random.randint(k3, (BATCH,), 0, N_SAMPLES, dtype=jnp.int32)
    # memory buffer: rand(n, d) * 2*std - std with std = 1/sqrt(d/3)
    std = 1.0 / np.sqrt(NPC_DIM / 3.0)
    memory = jax.random.uniform(k4, (N_SAMPLES, NPC_DIM), dtype=jnp.float32) * 2.0 * std - std
    # flag buffer: mix of anchors (+1) and instances (-1) so both loss branches are exercised
    flag = jnp.where(jax.random.uniform(k5, (N_SAMPLES,)) < 0.3, 1, -1).astype(jnp.int32)
    # neighbors buffer: anchor -> nearest-neighbor sample id
    neighbors = jax.random.randint(k6, (N_SAMPLES,), 0, N_SAMPLES, dtype=jnp.int32)
    return {
        "zp": zp,
        "index": index,
        "local_neighbor_indices": local_neighbor_indices,
        "memory": memory,
        "flag": flag,
        "neighbors": neighbors,
    }


def reference(zp, index, local_neighbor_indices, memory, flag, neighbors):
    batch_size = zp.shape[0]
    flags = flag[index]  # gather flags for batch
    mask_instance = flags < 0
    mask_anchor = flags >= 0

    zn = _l2_normalize(zp)
    # MemoryBank.forward: sim = zn @ memory.T / t
    sim = (zn @ memory.T) / TEMP
    pred = jax.nn.softmax(sim, axis=1)

    rows = jnp.arange(batch_size)
    pred_self = pred[rows, index]
    pred_local_nb = pred[rows, local_neighbor_indices]

    # instance loss (masked fixed-shape sum; empty mask sums to 0, matching torch branch)
    instance_terms = jnp.log(pred_self + pred_local_nb + CONST)
    instance_loss = -jnp.where(mask_instance, instance_terms, 0.0).sum() / batch_size * 2.0

    # anchor loss
    anchor_nb_indices = neighbors[index]  # gather anchor's memory-bank neighbor
    pred_neighbor = pred[rows, anchor_nb_indices]
    anchor_terms = jnp.log(pred_self + pred_neighbor + pred_local_nb + CONST)
    anchor_loss = -jnp.where(mask_anchor, anchor_terms, 0.0).sum() / batch_size * 2.0

    return (instance_loss, anchor_loss)

if __name__ == "__main__":
    import jax
    _d = setup_inputs()
    print(jax.jit(kernel)(*tuple(_d.values())))

</pallas_src>

<mosaic_0001>
#map = affine_map<(d0, d1) -> (0)>
#map1 = affine_map<(d0, d1) -> (0, 0)>
module attributes {stable_mosaic.version = 14 : i64} {
  func.func @_sc_gather(%arg0: i32, %arg1: i32, %arg2: memref<4096xi32, #tpu.memory_space<hbm>>, %arg3: memref<4096xi32, #tpu.memory_space<hbm>>, %arg4: memref<100000x128xf32, #tpu.memory_space<hbm>>, %arg5: memref<100000xi32, #tpu.memory_space<hbm>>, %arg6: memref<100000xi32, #tpu.memory_space<hbm>>, %arg7: memref<4096xi32, #tpu.memory_space<hbm>>, %arg8: memref<4096x128xf32, #tpu.memory_space<hbm>>, %arg9: memref<4096x128xf32, #tpu.memory_space<hbm>>, %arg10: memref<4096x128xf32, #tpu.memory_space<hbm>>, %arg11: memref<128xi32, #tpu.memory_space<vmem>>, %arg12: memref<128xi32, #tpu.memory_space<vmem>>, %arg13: memref<128xi32, #tpu.memory_space<vmem>>, %arg14: memref<128xi32, #tpu.memory_space<vmem>>, %arg15: memref<128x128xf32, #tpu.memory_space<vmem>>, %arg16: memref<128x128xf32, #tpu.memory_space<vmem>>, %arg17: memref<128x128xf32, #tpu.memory_space<vmem>>, %arg18: memref<!tpu.dma_semaphore, #tpu.memory_space<semaphore_mem>>, %arg19: memref<!tpu.dma_semaphore, #tpu.memory_space<semaphore_mem>>) attributes {dimension_semantics = [#tpu.dimension_semantics<core_parallel>, #tpu.dimension_semantics<subcore_parallel>], iteration_bounds = array<i64: 2, 16>, scalar_prefetch = 0 : i64, scratch_operands = 9 : i64, tpu.core_type = #tpu.core_type<sc_vector_subcore>, window_params = [{transform_indices = #map}, {transform_indices = #map}, {transform_indices = #map1}, {transform_indices = #map}, {transform_indices = #map}, {transform_indices = #map}, {transform_indices = #map1}, {transform_indices = #map1}, {transform_indices = #map1}]} {
    %mul3A = arith.constant 2 : i32
    %mul3A_0 = arith.muli %arg1, %mul3A : i32
    %add3A = arith.addi %mul3A_0, %arg0 : i32
    %mul3A_1 = arith.constant 128 : i32
    %mul3A_2 = arith.muli %add3A, %mul3A_1 : i32
    "tpu.region"() ({
      %run_scoped3A = tpu.sem_alloc : memref<!tpu.dma_semaphore, #tpu.memory_space<semaphore_mem>>
      %dma_start3A_27 = tpu.memref_slice %arg2[%mul3A_2] : memref<4096xi32, #tpu.memory_space<hbm>> -> memref<128xi32, #tpu.memory_space<hbm>>
      %dma_start3A_28 = tpu.memref_slice %arg2[%mul3A_2] : memref<4096xi32, #tpu.memory_space<hbm>> -> memref<128xi32, #tpu.memory_space<hbm>>
      tpu.enqueue_dma source(%dma_start3A_28 : memref<128xi32, #tpu.memory_space<hbm>>) target(%arg11 : memref<128xi32, #tpu.memory_space<vmem>>) target_semaphore(%run_scoped3A : memref<!tpu.dma_semaphore, #tpu.memory_space<semaphore_mem>>)
      %dma_wait3A_29 = tpu.memref_slice %arg2[%mul3A_2] : memref<4096xi32, #tpu.memory_space<hbm>> -> memref<128xi32, #tpu.memory_space<hbm>>
      %dma_wait3A_30 = tpu.memref_slice %arg2[%mul3A_2] : memref<4096xi32, #tpu.memory_space<hbm>> -> memref<128xi32, #tpu.memory_space<hbm>>
      tpu.wait_dma2 semaphore(%run_scoped3A : memref<!tpu.dma_semaphore, #tpu.memory_space<semaphore_mem>>) src(%dma_wait3A_30 : memref<128xi32, #tpu.memory_space<hbm>>) dst(%arg11 : memref<128xi32, #tpu.memory_space<vmem>>)
      tpu.yield
    }) : () -> ()
    "tpu.region"() ({
      %run_scoped3A = tpu.sem_alloc : memref<!tpu.dma_semaphore, #tpu.memory_space<semaphore_mem>>
      %dma_start3A_27 = tpu.memref_slice %arg3[%mul3A_2] : memref<4096xi32, #tpu.memory_space<hbm>> -> memref<128xi32, #tpu.memory_space<hbm>>
      %dma_start3A_28 = tpu.memref_slice %arg3[%mul3A_2] : memref<4096xi32, #tpu.memory_space<hbm>> -> memref<128xi32, #tpu.memory_space<hbm>>
      tpu.enqueue_dma source(%dma_start3A_28 : memref<128xi32, #tpu.memory_space<hbm>>) target(%arg12 : memref<128xi32, #tpu.memory_space<vmem>>) target_semaphore(%run_scoped3A : memref<!tpu.dma_semaphore, #tpu.memory_space<semaphore_mem>>)
      %dma_wait3A_29 = tpu.memref_slice %arg3[%mul3A_2] : memref<4096xi32, #tpu.memory_space<hbm>> -> memref<128xi32, #tpu.memory_space<hbm>>
      %dma_wait3A_30 = tpu.memref_slice %arg3[%mul3A_2] : memref<4096xi32, #tpu.memory_space<hbm>> -> memref<128xi32, #tpu.memory_space<hbm>>
      tpu.wait_dma2 semaphore(%run_scoped3A : memref<!tpu.dma_semaphore, #tpu.memory_space<semaphore_mem>>) src(%dma_wait3A_30 : memref<128xi32, #tpu.memory_space<hbm>>) dst(%arg12 : memref<128xi32, #tpu.memory_space<vmem>>)
      tpu.yield
    }) : () -> ()
    %dma_start3A = arith.constant 0 : i32
    %dma_start3A_3 = tpu.memref_slice %arg6[%dma_start3A] : memref<100000xi32, #tpu.memory_space<hbm>> -> memref<100000xi32, #tpu.memory_space<hbm>>
    tpu.enqueue_indirect_dma source(%dma_start3A_3 : memref<100000xi32, #tpu.memory_space<hbm>>) target(%arg13 : memref<128xi32, #tpu.memory_space<vmem>>) offsets(%arg11 : memref<128xi32, #tpu.memory_space<vmem>>) semaphore(%arg18 : memref<!tpu.dma_semaphore, #tpu.memory_space<semaphore_mem>>)
    %dma_start3A_4 = arith.constant 0 : i32
    %dma_start3A_5 = tpu.memref_slice %arg5[%dma_start3A_4] : memref<100000xi32, #tpu.memory_space<hbm>> -> memref<100000xi32, #tpu.memory_space<hbm>>
    tpu.enqueue_indirect_dma source(%dma_start3A_5 : memref<100000xi32, #tpu.memory_space<hbm>>) target(%arg14 : memref<128xi32, #tpu.memory_space<vmem>>) offsets(%arg11 : memref<128xi32, #tpu.memory_space<vmem>>) semaphore(%arg19 : memref<!tpu.dma_semaphore, #tpu.memory_space<semaphore_mem>>)
    %dma_start3A_6 = arith.constant 0 : i32
    %dma_start3A_7 = arith.constant 0 : i32
    %dma_start3A_8 = tpu.memref_slice %arg4[%dma_start3A_6, %dma_start3A_7] : memref<100000x128xf32, #tpu.memory_space<hbm>> -> memref<100000x128xf32, #tpu.memory_space<hbm>>
    tpu.enqueue_indirect_dma source(%dma_start3A_8 : memref<100000x128xf32, #tpu.memory_space<hbm>>) target(%arg15 : memref<128x128xf32, #tpu.memory_space<vmem>>) offsets(%arg11 : memref<128xi32, #tpu.memory_space<vmem>>) semaphore(%arg19 : memref<!tpu.dma_semaphore, #tpu.memory_space<semaphore_mem>>)
    %dma_start3A_9 = arith.constant 0 : i32
    %dma_start3A_10 = arith.constant 0 : i32
    %dma_start3A_11 = tpu.memref_slice %arg4[%dma_start3A_9, %dma_start3A_10] : memref<100000x128xf32, #tpu.memory_space<hbm>> -> memref<100000x128xf32, #tpu.memory_space<hbm>>
    tpu.enqueue_indirect_dma source(%dma_start3A_11 : memref<100000x128xf32, #tpu.memory_space<hbm>>) target(%arg16 : memref<128x128xf32, #tpu.memory_space<vmem>>) offsets(%arg12 : memref<128xi32, #tpu.memory_space<vmem>>) semaphore(%arg19 : memref<!tpu.dma_semaphore, #tpu.memory_space<semaphore_mem>>)
    %dma_wait3A = arith.constant 0 : i32
    %dma_wait3A_12 = tpu.memref_slice %arg6[%dma_wait3A] : memref<100000xi32, #tpu.memory_space<hbm>> -> memref<100000xi32, #tpu.memory_space<hbm>>
    tpu.wait_indirect_dma semaphore(%arg18 : memref<!tpu.dma_semaphore, #tpu.memory_space<semaphore_mem>>) src(%dma_wait3A_12 : memref<100000xi32, #tpu.memory_space<hbm>>) dst(%arg13 : memref<128xi32, #tpu.memory_space<vmem>>)
    %dma_start3A_13 = arith.constant 0 : i32
    %dma_start3A_14 = arith.constant 0 : i32
    %dma_start3A_15 = tpu.memref_slice %arg4[%dma_start3A_13, %dma_start3A_14] : memref<100000x128xf32, #tpu.memory_space<hbm>> -> memref<100000x128xf32, #tpu.memory_space<hbm>>
    tpu.enqueue_indirect_dma source(%dma_start3A_15 : memref<100000x128xf32, #tpu.memory_space<hbm>>) target(%arg17 : memref<128x128xf32, #tpu.memory_space<vmem>>) offsets(%arg13 : memref<128xi32, #tpu.memory_space<vmem>>) semaphore(%arg19 : memref<!tpu.dma_semaphore, #tpu.memory_space<semaphore_mem>>)
    %dma_wait3A_16 = arith.constant 0 : i32
    %dma_wait3A_17 = tpu.memref_slice %arg5[%dma_wait3A_16] : memref<100000xi32, #tpu.memory_space<hbm>> -> memref<100000xi32, #tpu.memory_space<hbm>>
    tpu.wait_indirect_dma semaphore(%arg19 : memref<!tpu.dma_semaphore, #tpu.memory_space<semaphore_mem>>) src(%dma_wait3A_17 : memref<100000xi32, #tpu.memory_space<hbm>>) dst(%arg14 : memref<128xi32, #tpu.memory_space<vmem>>)
    %dma_wait3A_18 = arith.constant 0 : i32
    %dma_wait3A_19 = arith.constant 0 : i32
    %dma_wait3A_20 = tpu.memref_slice %arg4[%dma_wait3A_18, %dma_wait3A_19] : memref<100000x128xf32, #tpu.memory_space<hbm>> -> memref<100000x128xf32, #tpu.memory_space<hbm>>
    tpu.wait_indirect_dma semaphore(%arg19 : memref<!tpu.dma_semaphore, #tpu.memory_space<semaphore_mem>>) src(%dma_wait3A_20 : memref<100000x128xf32, #tpu.memory_space<hbm>>) dst(%arg15 : memref<128x128xf32, #tpu.memory_space<vmem>>)
    %dma_wait3A_21 = arith.constant 0 : i32
    %dma_wait3A_22 = arith.constant 0 : i32
    %dma_wait3A_23 = tpu.memref_slice %arg4[%dma_wait3A_21, %dma_wait3A_22] : memref<100000x128xf32, #tpu.memory_space<hbm>> -> memref<100000x128xf32, #tpu.memory_space<hbm>>
    tpu.wait_indirect_dma semaphore(%arg19 : memref<!tpu.dma_semaphore, #tpu.memory_space<semaphore_mem>>) src(%dma_wait3A_23 : memref<100000x128xf32, #tpu.memory_space<hbm>>) dst(%arg16 : memref<128x128xf32, #tpu.memory_space<vmem>>)
    %dma_wait3A_24 = arith.constant 0 : i32
    %dma_wait3A_25 = arith.constant 0 : i32
    %dma_wait3A_26 = tpu.memref_slice %arg4[%dma_wait3A_24, %dma_wait3A_25] : memref<100000x128xf32, #tpu.memory_space<hbm>> -> memref<100000x128xf32, #tpu.memory_space<hbm>>
    tpu.wait_indirect_dma semaphore(%arg19 : memref<!tpu.dma_semaphore, #tpu.memory_space<semaphore_mem>>) src(%dma_wait3A_26 : memref<100000x128xf32, #tpu.memory_space<hbm>>) dst(%arg17 : memref<128x128xf32, #tpu.memory_space<vmem>>)
    "tpu.region"() ({
      %run_scoped3A = tpu.sem_alloc : memref<!tpu.dma_semaphore, #tpu.memory_space<semaphore_mem>>
      %dma_start3A_27 = tpu.memref_slice %arg7[%mul3A_2] : memref<4096xi32, #tpu.memory_space<hbm>> -> memref<128xi32, #tpu.memory_space<hbm>>
      %dma_start3A_28 = tpu.memref_slice %arg7[%mul3A_2] : memref<4096xi32, #tpu.memory_space<hbm>> -> memref<128xi32, #tpu.memory_space<hbm>>
      tpu.enqueue_dma source(%arg14 : memref<128xi32, #tpu.memory_space<vmem>>) target(%dma_start3A_28 : memref<128xi32, #tpu.memory_space<hbm>>) target_semaphore(%run_scoped3A : memref<!tpu.dma_semaphore, #tpu.memory_space<semaphore_mem>>)
      %dma_wait3A_29 = tpu.memref_slice %arg7[%mul3A_2] : memref<4096xi32, #tpu.memory_space<hbm>> -> memref<128xi32, #tpu.memory_space<hbm>>
      %dma_wait3A_30 = tpu.memref_slice %arg7[%mul3A_2] : memref<4096xi32, #tpu.memory_space<hbm>> -> memref<128xi32, #tpu.memory_space<hbm>>
      tpu.wait_dma2 semaphore(%run_scoped3A : memref<!tpu.dma_semaphore, #tpu.memory_space<semaphore_mem>>) src(%arg14 : memref<128xi32, #tpu.memory_space<vmem>>) dst(%dma_wait3A_30 : memref<128xi32, #tpu.memory_space<hbm>>)
      tpu.yield
    }) : () -> ()
    "tpu.region"() ({
      %run_scoped3A = tpu.sem_alloc : memref<!tpu.dma_semaphore, #tpu.memory_space<semaphore_mem>>
      %dma_start3A_27 = arith.constant 0 : i32
      %dma_start3A_28 = tpu.memref_slice %arg8[%mul3A_2, %dma_start3A_27] : memref<4096x128xf32, #tpu.memory_space<hbm>> -> memref<128x128xf32, #tpu.memory_space<hbm>>
      %dma_start3A_29 = arith.constant 0 : i32
      %dma_start3A_30 = tpu.memref_slice %arg8[%mul3A_2, %dma_start3A_29] : memref<4096x128xf32, #tpu.memory_space<hbm>> -> memref<128x128xf32, #tpu.memory_space<hbm>>
      tpu.enqueue_dma source(%arg15 : memref<128x128xf32, #tpu.memory_space<vmem>>) target(%dma_start3A_30 : memref<128x128xf32, #tpu.memory_space<hbm>>) target_semaphore(%run_scoped3A : memref<!tpu.dma_semaphore, #tpu.memory_space<semaphore_mem>>)
      %dma_wait3A_31 = arith.constant 0 : i32
      %dma_wait3A_32 = tpu.memref_slice %arg8[%mul3A_2, %dma_wait3A_31] : memref<4096x128xf32, #tpu.memory_space<hbm>> -> memref<128x128xf32, #tpu.memory_space<hbm>>
      %dma_wait3A_33 = arith.constant 0 : i32
      %dma_wait3A_34 = tpu.memref_slice %arg8[%mul3A_2, %dma_wait3A_33] : memref<4096x128xf32, #tpu.memory_space<hbm>> -> memref<128x128xf32, #tpu.memory_space<hbm>>
      tpu.wait_dma2 semaphore(%run_scoped3A : memref<!tpu.dma_semaphore, #tpu.memory_space<semaphore_mem>>) src(%arg15 : memref<128x128xf32, #tpu.memory_space<vmem>>) dst(%dma_wait3A_34 : memref<128x128xf32, #tpu.memory_space<hbm>>)
      tpu.yield
    }) : () -> ()
    "tpu.region"() ({
      %run_scoped3A = tpu.sem_alloc : memref<!tpu.dma_semaphore, #tpu.memory_space<semaphore_mem>>
      %dma_start3A_27 = arith.constant 0 : i32
      %dma_start3A_28 = tpu.memref_slice %arg9[%mul3A_2, %dma_start3A_27] : memref<4096x128xf32, #tpu.memory_space<hbm>> -> memref<128x128xf32, #tpu.memory_space<hbm>>
      %dma_start3A_29 = arith.constant 0 : i32
      %dma_start3A_30 = tpu.memref_slice %arg9[%mul3A_2, %dma_start3A_29] : memref<4096x128xf32, #tpu.memory_space<hbm>> -> memref<128x128xf32, #tpu.memory_space<hbm>>
      tpu.enqueue_dma source(%arg16 : memref<128x128xf32, #tpu.memory_space<vmem>>) target(%dma_start3A_30 : memref<128x128xf32, #tpu.memory_space<hbm>>) target_semaphore(%run_scoped3A : memref<!tpu.dma_semaphore, #tpu.memory_space<semaphore_mem>>)
      %dma_wait3A_31 = arith.constant 0 : i32
      %dma_wait3A_32 = tpu.memref_slice %arg9[%mul3A_2, %dma_wait3A_31] : memref<4096x128xf32, #tpu.memory_space<hbm>> -> memref<128x128xf32, #tpu.memory_space<hbm>>
      %dma_wait3A_33 = arith.constant 0 : i32
      %dma_wait3A_34 = tpu.memref_slice %arg9[%mul3A_2, %dma_wait3A_33] : memref<4096x128xf32, #tpu.memory_space<hbm>> -> memref<128x128xf32, #tpu.memory_space<hbm>>
      tpu.wait_dma2 semaphore(%run_scoped3A : memref<!tpu.dma_semaphore, #tpu.memory_space<semaphore_mem>>) src(%arg16 : memref<128x128xf32, #tpu.memory_space<vmem>>) dst(%dma_wait3A_34 : memref<128x128xf32, #tpu.memory_space<hbm>>)
      tpu.yield
    }) : () -> ()
    "tpu.region"() ({
      %run_scoped3A = tpu.sem_alloc : memref<!tpu.dma_semaphore, #tpu.memory_space<semaphore_mem>>
      %dma_start3A_27 = arith.constant 0 : i32
      %dma_start3A_28 = tpu.memref_slice %arg10[%mul3A_2, %dma_start3A_27] : memref<4096x128xf32, #tpu.memory_space<hbm>> -> memref<128x128xf32, #tpu.memory_space<hbm>>
      %dma_start3A_29 = arith.constant 0 : i32
      %dma_start3A_30 = tpu.memref_slice %arg10[%mul3A_2, %dma_start3A_29] : memref<4096x128xf32, #tpu.memory_space<hbm>> -> memref<128x128xf32, #tpu.memory_space<hbm>>
      tpu.enqueue_dma source(%arg17 : memref<128x128xf32, #tpu.memory_space<vmem>>) target(%dma_start3A_30 : memref<128x128xf32, #tpu.memory_space<hbm>>) target_semaphore(%run_scoped3A : memref<!tpu.dma_semaphore, #tpu.memory_space<semaphore_mem>>)
      %dma_wait3A_31 = arith.constant 0 : i32
      %dma_wait3A_32 = tpu.memref_slice %arg10[%mul3A_2, %dma_wait3A_31] : memref<4096x128xf32, #tpu.memory_space<hbm>> -> memref<128x128xf32, #tpu.memory_space<hbm>>
      %dma_wait3A_33 = arith.constant 0 : i32
      %dma_wait3A_34 = tpu.memref_slice %arg10[%mul3A_2, %dma_wait3A_33] : memref<4096x128xf32, #tpu.memory_space<hbm>> -> memref<128x128xf32, #tpu.memory_space<hbm>>
      tpu.wait_dma2 semaphore(%run_scoped3A : memref<!tpu.dma_semaphore, #tpu.memory_space<semaphore_mem>>) src(%arg17 : memref<128x128xf32, #tpu.memory_space<vmem>>) dst(%dma_wait3A_34 : memref<128x128xf32, #tpu.memory_space<hbm>>)
      tpu.yield
    }) : () -> ()
    return
  }
}

module attributes {stable_mosaic.version = 14 : i64} {
  func.func @_stream_body(%arg0: i32, %arg1: memref<4096x128xf32, #tpu.memory_space<vmem>>, %arg2: memref<10000x128xf32, #tpu.memory_space<vmem>>, %arg3: memref<4096x128xf32, #tpu.memory_space<vmem>>, %arg4: memref<4096x1xf32, #tpu.memory_space<vmem>>, %arg5: memref<4096x128xbf16, #tpu.memory_space<vmem>>, %arg6: memref<4096x128xf32, #tpu.memory_space<vmem>>) attributes {dimension_semantics = [#tpu.dimension_semantics<arbitrary>], iteration_bounds = array<i64: 10>, scalar_prefetch = 0 : i64, scratch_operands = 2 : i64, tpu.core_type = #tpu.core_type<tc>, window_params = [{pipeline_mode = #tpu.pipeline_mode<synchronous>, transform_indices = @transform_0, window_bounds = array<i64: 4096, 128>}, {transform_indices = @transform_1, window_bounds = array<i64: 10000, 128>}, {pipeline_mode = #tpu.pipeline_mode<synchronous>, transform_indices = @transform_2, window_bounds = array<i64: 4096, 128>}, {pipeline_mode = #tpu.pipeline_mode<synchronous>, transform_indices = @transform_3, window_bounds = array<i64: 4096, 1>}]} {
    %eq3A = arith.constant 0 : i32
    %eq3A_0 = arith.cmpi eq, %arg0, %eq3A : i32
    %convert_element_type3A = arith.extui %eq3A_0 : i1 to i32
    %cond3A = arith.constant 0 : i32
    %cond3A_1 = arith.cmpi ne, %convert_element_type3A, %cond3A : i32
    scf.if %cond3A_1 {
      %get3A_451 = arith.constant 0 : index
      %get3A_452 = arith.constant 0 : index
      %get3A_453 = vector.load %arg1[%get3A_451, %get3A_452] : memref<4096x128xf32, #tpu.memory_space<vmem>>, vector<4096x128xf32>
      %mul3A = arith.mulf %get3A_453, %get3A_453 : vector<4096x128xf32>
      %reduce_sum3A = arith.constant dense<0.000000e+00> : vector<4096xf32>
      %reduce_sum3A_454 = vector.multi_reduction <add>, %mul3A, %reduce_sum3A [1] : vector<4096x128xf32> to vector<4096xf32>
      %broadcast_in_dim3A_455 = vector.shape_cast %reduce_sum3A_454 : vector<4096xf32> to vector<4096x1xf32>
      %sqrt3A = math.sqrt %broadcast_in_dim3A_455 : vector<4096x1xf32>
      %mul3A_456 = arith.constant 20.60993 : f32
      %mul3A_457 = vector.broadcast %mul3A_456 : f32 to vector<4096x128xf32>
      %mul3A_458 = arith.mulf %get3A_453, %mul3A_457 : vector<4096x128xf32>
      %max3A = arith.constant 9.99999996E-13 : f32
      %max3A_459 = vector.broadcast %max3A : f32 to vector<4096x1xf32>
      %max3A_460 = arith.maximumf %sqrt3A, %max3A_459 : vector<4096x1xf32>
      %div3A = vector.broadcast %max3A_460 : vector<4096x1xf32> to vector<4096x128xf32>
      %div3A_461 = arith.divf %mul3A_458, %div3A : vector<4096x128xf32>
      %swap3A_462 = arith.constant 0 : index
      %swap3A_463 = arith.constant 0 : index
      %swap3A_464 = vector.load %arg3[%swap3A_462, %swap3A_463] : memref<4096x128xf32, #tpu.memory_space<vmem>>, vector<4096x128xf32>
      tpu.vector_store %arg3[%swap3A_462, %swap3A_463], %div3A_461 {strides = array<i32>} : memref<4096x128xf32, #tpu.memory_space<vmem>>, vector<4096x128xf32>,
      %convert_element_type3A_465 = arith.truncf %div3A_461 : vector<4096x128xf32> to vector<4096x128xbf16>
      %swap3A_466 = arith.constant 0 : index
      %swap3A_467 = arith.constant 0 : index
      %swap3A_468 = vector.load %arg5[%swap3A_466, %swap3A_467] : memref<4096x128xbf16, #tpu.memory_space<vmem>>, vector<4096x128xbf16>
      tpu.vector_store %arg5[%swap3A_466, %swap3A_467], %convert_element_type3A_465 {strides = array<i32>} : memref<4096x128xbf16, #tpu.memory_space<vmem>>, vector<4096x128xbf16>,
      %broadcast_in_dim3A_469 = arith.constant 0.000000e+00 : f32
      %broadcast_in_dim3A_470 = vector.broadcast %broadcast_in_dim3A_469 : f32 to vector<4096x128xf32>
      %swap3A_471 = arith.constant 0 : index
      %swap3A_472 = arith.constant 0 : index
      %swap3A_473 = vector.load %arg6[%swap3A_471, %swap3A_472] : memref<4096x128xf32, #tpu.memory_space<vmem>>, vector<4096x128xf32>
      tpu.vector_store %arg6[%swap3A_471, %swap3A_472], %broadcast_in_dim3A_470 {strides = array<i32>} : memref<4096x128xf32, #tpu.memory_space<vmem>>, vector<4096x128xf32>,
    } else {
    }
    %get3A = arith.constant 0 : index
    %get3A_2 = arith.constant 0 : index
    %get3A_3 = vector.load %arg5[%get3A, %get3A_2] : memref<4096x128xbf16, #tpu.memory_space<vmem>>, vector<4096x128xbf16>
    %broadcast_in_dim3A = arith.constant 0.000000e+00 : f32
    %broadcast_in_dim3A_4 = vector.broadcast %broadcast_in_dim3A : f32 to vector<4096x128xf32>
    %get3A_5 = arith.constant 0 : index
    %get3A_6 = arith.constant 0 : index
    %get3A_7 = vector.load %arg2[%get3A_5, %get3A_6] : memref<10000x128xf32, #tpu.memory_space<vmem>>, vector<256x128xf32>
    %convert_element_type3A_8 = arith.truncf %get3A_7 : vector<256x128xf32> to vector<256x128xbf16>
    %dot_general3A = arith.constant dense<0.000000e+00> : vector<4096x256xf32>
    %dot_general3A_9 = tpu.matmul %get3A_3, %convert_element_type3A_8, %dot_general3A {dimension_numbers = #tpu.dot_dimension_numbers<[1], [1], [0], [0], [0, 0, 1, 0], [], []>, transpose_lhs_hint = false} : vector<4096x128xbf16>, vector<256x128xbf16>, vector<4096x256xf32> -> vector<4096x256xf32>
    %get3A_10 = arith.constant 256 : index
    %get3A_11 = arith.constant 0 : index
    %get3A_12 = vector.load %arg2[%get3A_10, %get3A_11] : memref<10000x128xf32, #tpu.memory_space<vmem>>, vector<256x128xf32>
    %convert_element_type3A_13 = arith.truncf %get3A_12 : vector<256x128xf32> to vector<256x128xbf16>
    %dot_general3A_14 = arith.constant dense<0.000000e+00> : vector<4096x256xf32>
    %dot_general3A_15 = tpu.matmul %get3A_3, %convert_element_type3A_13, %dot_general3A_14 {dimension_numbers = #tpu.dot_dimension_numbers<[1], [1], [0], [0], [0, 0, 1, 0], [], []>, transpose_lhs_hint = false} : vector<4096x128xbf16>, vector<256x128xbf16>, vector<4096x256xf32> -> vector<4096x256xf32>
    %exp23A = math.exp2 %dot_general3A_9 : vector<4096x256xf32>
    %slice3A = vector.extract_strided_slice %exp23A {offsets = [0, 0], sizes = [4096, 128], strides = [1, 1]} : vector<4096x256xf32> to vector<4096x128xf32>
    %slice3A_16 = vector.extract_strided_slice %exp23A {offsets = [0, 128], sizes = [4096, 128], strides = [1, 1]} : vector<4096x256xf32> to vector<4096x128xf32>
    %add3A = arith.addf %slice3A, %slice3A_16 : vector<4096x128xf32>
    %add3A_17 = arith.addf %broadcast_in_dim3A_4, %add3A : vector<4096x128xf32>
    %get3A_18 = arith.constant 512 : index
    %get3A_19 = arith.constant 0 : index
    %get3A_20 = vector.load %arg2[%get3A_18, %get3A_19] : memref<10000x128xf32, #tpu.memory_space<vmem>>, vector<256x128xf32>
    %convert_element_type3A_21 = arith.truncf %get3A_20 : vector<256x128xf32> to vector<256x128xbf16>
    %dot_general3A_22 = arith.constant dense<0.000000e+00> : vector<4096x256xf32>
    %dot_general3A_23 = tpu.matmul %get3A_3, %convert_element_type3A_21, %dot_general3A_22 {dimension_numbers = #tpu.dot_dimension_numbers<[1], [1], [0], [0], [0, 0, 1, 0], [], []>, transpose_lhs_hint = false} : vector<4096x128xbf16>, vector<256x128xbf16>, vector<4096x256xf32> -> vector<4096x256xf32>
    %exp23A_24 = math.exp2 %dot_general3A_15 : vector<4096x256xf32>
    %slice3A_25 = vector.extract_strided_slice %exp23A_24 {offsets = [0, 0], sizes = [4096, 128], strides = [1, 1]} : vector<4096x256xf32> to vector<4096x128xf32>
    %slice3A_26 = vector.extract_strided_slice %exp23A_24 {offsets = [0, 128], sizes = [4096, 128], strides = [1, 1]} : vector<4096x256xf32> to vector<4096x128xf32>
    %add3A_27 = arith.addf %slice3A_25, %slice3A_26 : vector<4096x128xf32>
    %add3A_28 = arith.addf %add3A_17, %add3A_27 : vector<4096x128xf32>
    %get3A_29 = arith.constant 768 : index
    %get3A_30 = arith.constant 0 : index
    %get3A_31 = vector.load %arg2[%get3A_29, %get3A_30] : memref<10000x128xf32, #tpu.memory_space<vmem>>, vector<256x128xf32>
    %convert_element_type3A_32 = arith.truncf %get3A_31 : vector<256x128xf32> to vector<256x128xbf16>
    %dot_general3A_33 = arith.constant dense<0.000000e+00> : vector<4096x256xf32>
    %dot_general3A_34 = tpu.matmul %get3A_3, %convert_element_type3A_32, %dot_general3A_33 {dimension_numbers = #tpu.dot_dimension_numbers<[1], [1], [0], [0], [0, 0, 1, 0], [], []>, transpose_lhs_hint = false} : vector<4096x128xbf16>, vector<256x128xbf16>, vector<4096x256xf32> -> vector<4096x256xf32>
    %exp23A_35 = math.exp2 %dot_general3A_23 : vector<4096x256xf32>
    %slice3A_36 = vector.extract_strided_slice %exp23A_35 {offsets = [0, 0], sizes = [4096, 128], strides = [1, 1]} : vector<4096x256xf32> to vector<4096x128xf32>
    %slice3A_37 = vector.extract_strided_slice %exp23A_35 {offsets = [0, 128], sizes = [4096, 128], strides = [1, 1]} : vector<4096x256xf32> to vector<4096x128xf32>
    %add3A_38 = arith.addf %slice3A_36, %slice3A_37 : vector<4096x128xf32>
    %add3A_39 = arith.addf %add3A_28, %add3A_38 : vector<4096x128xf32>
    %get3A_40 = arith.constant 1024 : index
    %get3A_41 = arith.constant 0 : index
    %get3A_42 = vector.load %arg2[%get3A_40, %get3A_41] : memref<10000x128xf32, #tpu.memory_space<vmem>>, vector<256x128xf32>
    %convert_element_type3A_43 = arith.truncf %get3A_42 : vector<256x128xf32> to vector<256x128xbf16>
    %dot_general3A_44 = arith.constant dense<0.000000e+00> : vector<4096x256xf32>
    %dot_general3A_45 = tpu.matmul %get3A_3, %convert_element_type3A_43, %dot_general3A_44 {dimension_numbers = #tpu.dot_dimension_numbers<[1], [1], [0], [0], [0, 0, 1, 0], [], []>, transpose_lhs_hint = false} : vector<4096x128xbf16>, vector<256x128xbf16>, vector<4096x256xf32> -> vector<4096x256xf32>
    %exp23A_46 = math.exp2 %dot_general3A_34 : vector<4096x256xf32>
    %slice3A_47 = vector.extract_strided_slice %exp23A_46 {offsets = [0, 0], sizes = [4096, 128], strides = [1, 1]} : vector<4096x256xf32> to vector<4096x128xf32>
    %slice3A_48 = vector.extract_strided_slice %exp23A_46 {offsets = [0, 128], sizes = [4096, 128], strides = [1, 1]} : vector<4096x256xf32> to vector<4096x128xf32>
    %add3A_49 = arith.addf %slice3A_47, %slice3A_48 : vector<4096x128xf32>
    %add3A_50 = arith.addf %add3A_39, %add3A_49 : vector<4096x128xf32>
    %get3A_51 = arith.constant 1280 : index
    %get3A_52 = arith.constant 0 : index
    %get3A_53 = vector.load %arg2[%get3A_51, %get3A_52] : memref<10000x128xf32, #tpu.memory_space<vmem>>, vector<256x128xf32>
    %convert_element_type3A_54 = arith.truncf %get3A_53 : vector<256x128xf32> to vector<256x128xbf16>
    %dot_general3A_55 = arith.constant dense<0.000000e+00> : vector<4096x256xf32>
    %dot_general3A_56 = tpu.matmul %get3A_3, %convert_element_type3A_54, %dot_general3A_55 {dimension_numbers = #tpu.dot_dimension_numbers<[1], [1], [0], [0], [0, 0, 1, 0], [], []>, transpose_lhs_hint = false} : vector<4096x128xbf16>, vector<256x128xbf16>, vector<4096x256xf32> -> vector<4096x256xf32>
    %exp23A_57 = math.exp2 %dot_general3A_45 : vector<4096x256xf32>
    %slice3A_58 = vector.extract_strided_slice %exp23A_57 {offsets = [0, 0], sizes = [4096, 128], strides = [1, 1]} : vector<4096x256xf32> to vector<4096x128xf32>
    %slice3A_59 = vector.extract_strided_slice %exp23A_57 {offsets = [0, 128], sizes = [4096, 128], strides = [1, 1]} : vector<4096x256xf32> to vector<4096x128xf32>
    %add3A_60 = arith.addf %slice3A_58, %slice3A_59 : vector<4096x128xf32>
    %add3A_61 = arith.addf %add3A_50, %add3A_60 : vector<4096x128xf32>
    %get3A_62 = arith.constant 1536 : index
    %get3A_63 = arith.constant 0 : index
    %get3A_64 = vector.load %arg2[%get3A_62, %get3A_63] : memref<10000x128xf32, #tpu.memory_space<vmem>>, vector<256x128xf32>
    %convert_element_type3A_65 = arith.truncf %get3A_64 : vector<256x128xf32> to vector<256x128xbf16>
    %dot_general3A_66 = arith.constant dense<0.000000e+00> : vector<4096x256xf32>
    %dot_general3A_67 = tpu.matmul %get3A_3, %convert_element_type3A_65, %dot_general3A_66 {dimension_numbers = #tpu.dot_dimension_numbers<[1], [1], [0], [0], [0, 0, 1, 0], [], []>, transpose_lhs_hint = false} : vector<4096x128xbf16>, vector<256x128xbf16>, vector<4096x256xf32> -> vector<4096x256xf32>
    %exp23A_68 = math.exp2 %dot_general3A_56 : vector<4096x256xf32>
    %slice3A_69 = vector.extract_strided_slice %exp23A_68 {offsets = [0, 0], sizes = [4096, 128], strides = [1, 1]} : vector<4096x256xf32> to vector<4096x128xf32>
    %slice3A_70 = vector.extract_strided_slice %exp23A_68 {offsets = [0, 128], sizes = [4096, 128], strides = [1, 1]} : vector<4096x256xf32> to vector<4096x128xf32>
    %add3A_71 = arith.addf %slice3A_69, %slice3A_70 : vector<4096x128xf32>
    %add3A_72 = arith.addf %add3A_61, %add3A_71 : vector<4096x128xf32>
    %get3A_73 = arith.constant 1792 : index
    %get3A_74 = arith.constant 0 : index
    %get3A_75 = vector.load %arg2[%get3A_73, %get3A_74] : memref<10000x128xf32, #tpu.memory_space<vmem>>, vector<256x128xf32>
    %convert_element_type3A_76 = arith.truncf %get3A_75 : vector<256x128xf32> to vector<256x128xbf16>
    %dot_general3A_77 = arith.constant dense<0.000000e+00> : vector<4096x256xf32>
    %dot_general3A_78 = tpu.matmul %get3A_3, %convert_element_type3A_76, %dot_general3A_77 {dimension_numbers = #tpu.dot_dimension_numbers<[1], [1], [0], [0], [0, 0, 1, 0], [], []>, transpose_lhs_hint = false} : vector<4096x128xbf16>, vector<256x128xbf16>, vector<4096x256xf32> -> vector<4096x256xf32>
    %exp23A_79 = math.exp2 %dot_general3A_67 : vector<4096x256xf32>
    %slice3A_80 = vector.extract_strided_slice %exp23A_79 {offsets = [0, 0], sizes = [4096, 128], strides = [1, 1]} : vector<4096x256xf32> to vector<4096x128xf32>
    %slice3A_81 = vector.extract_strided_slice %exp23A_79 {offsets = [0, 128], sizes = [4096, 128], strides = [1, 1]} : vector<4096x256xf32> to vector<4096x128xf32>
    %add3A_82 = arith.addf %slice3A_80, %slice3A_81 : vector<4096x128xf32>
    %add3A_83 = arith.addf %add3A_72, %add3A_82 : vector<4096x128xf32>
    %get3A_84 = arith.constant 2048 : index
    %get3A_85 = arith.constant 0 : index
    %get3A_86 = vector.load %arg2[%get3A_84, %get3A_85] : memref<10000x128xf32, #tpu.memory_space<vmem>>, vector<256x128xf32>
    %convert_element_type3A_87 = arith.truncf %get3A_86 : vector<256x128xf32> to vector<256x128xbf16>
    %dot_general3A_88 = arith.constant dense<0.000000e+00> : vector<4096x256xf32>
    %dot_general3A_89 = tpu.matmul %get3A_3, %convert_element_type3A_87, %dot_general3A_88 {dimension_numbers = #tpu.dot_dimension_numbers<[1], [1], [0], [0], [0, 0, 1, 0], [], []>, transpose_lhs_hint = false} : vector<4096x128xbf16>, vector<256x128xbf16>, vector<4096x256xf32> -> vector<4096x256xf32>
    %exp23A_90 = math.exp2 %dot_general3A_78 : vector<4096x256xf32>
    %slice3A_91 = vector.extract_strided_slice %exp23A_90 {offsets = [0, 0], sizes = [4096, 128], strides = [1, 1]} : vector<4096x256xf32> to vector<4096x128xf32>
    %slice3A_92 = vector.extract_strided_slice %exp23A_90 {offsets = [0, 128], sizes = [4096, 128], strides = [1, 1]} : vector<4096x256xf32> to vector<4096x128xf32>
    %add3A_93 = arith.addf %slice3A_91, %slice3A_92 : vector<4096x128xf32>
    %add3A_94 = arith.addf %add3A_83, %add3A_93 : vector<4096x128xf32>
    %get3A_95 = arith.constant 2304 : index
    %get3A_96 = arith.constant 0 : index
    %get3A_97 = vector.load %arg2[%get3A_95, %get3A_96] : memref<10000x128xf32, #tpu.memory_space<vmem>>, vector<256x128xf32>
    %convert_element_type3A_98 = arith.truncf %get3A_97 : vector<256x128xf32> to vector<256x128xbf16>
    %dot_general3A_99 = arith.constant dense<0.000000e+00> : vector<4096x256xf32>
    %dot_general3A_100 = tpu.matmul %get3A_3, %convert_element_type3A_98, %dot_general3A_99 {dimension_numbers = #tpu.dot_dimension_numbers<[1], [1], [0], [0], [0, 0, 1, 0], [], []>, transpose_lhs_hint = false} : vector<4096x128xbf16>, vector<256x128xbf16>, vector<4096x256xf32> -> vector<4096x256xf32>
    %exp23A_101 = math.exp2 %dot_general3A_89 : vector<4096x256xf32>
    %slice3A_102 = vector.extract_strided_slice %exp23A_101 {offsets = [0, 0], sizes = [4096, 128], strides = [1, 1]} : vector<4096x256xf32> to vector<4096x128xf32>
    %slice3A_103 = vector.extract_strided_slice %exp23A_101 {offsets = [0, 128], sizes = [4096, 128], strides = [1, 1]} : vector<4096x256xf32> to vector<4096x128xf32>
    %add3A_104 = arith.addf %slice3A_102, %slice3A_103 : vector<4096x128xf32>
    %add3A_105 = arith.addf %add3A_94, %add3A_104 : vector<4096x128xf32>
    %get3A_106 = arith.constant 2560 : index
    %get3A_107 = arith.constant 0 : index
    %get3A_108 = vector.load %arg2[%get3A_106, %get3A_107] : memref<10000x128xf32, #tpu.memory_space<vmem>>, vector<256x128xf32>
    %convert_element_type3A_109 = arith.truncf %get3A_108 : vector<256x128xf32> to vector<256x128xbf16>
    %dot_general3A_110 = arith.constant dense<0.000000e+00> : vector<4096x256xf32>
    %dot_general3A_111 = tpu.matmul %get3A_3, %convert_element_type3A_109, %dot_general3A_110 {dimension_numbers = #tpu.dot_dimension_numbers<[1], [1], [0], [0], [0, 0, 1, 0], [], []>, transpose_lhs_hint = false} : vector<4096x128xbf16>, vector<256x128xbf16>, vector<4096x256xf32> -> vector<4096x256xf32>
    %exp23A_112 = math.exp2 %dot_general3A_100 : vector<4096x256xf32>
    %slice3A_113 = vector.extract_strided_slice %exp23A_112 {offsets = [0, 0], sizes = [4096, 128], strides = [1, 1]} : vector<4096x256xf32> to vector<4096x128xf32>
    %slice3A_114 = vector.extract_strided_slice %exp23A_112 {offsets = [0, 128], sizes = [4096, 128], strides = [1, 1]} : vector<4096x256xf32> to vector<4096x128xf32>
    %add3A_115 = arith.addf %slice3A_113, %slice3A_114 : vector<4096x128xf32>
    %add3A_116 = arith.addf %add3A_105, %add3A_115 : vector<4096x128xf32>
    %get3A_117 = arith.constant 2816 : index
    %get3A_118 = arith.constant 0 : index
    %get3A_119 = vector.load %arg2[%get3A_117, %get3A_118] : memref<10000x128xf32, #tpu.memory_space<vmem>>, vector<256x128xf32>
    %convert_element_type3A_120 = arith.truncf %get3A_119 : vector<256x128xf32> to vector<256x128xbf16>
    %dot_general3A_121 = arith.constant dense<0.000000e+00> : vector<4096x256xf32>
    %dot_general3A_122 = tpu.matmul %get3A_3, %convert_element_type3A_120, %dot_general3A_121 {dimension_numbers = #tpu.dot_dimension_numbers<[1], [1], [0], [0], [0, 0, 1, 0], [], []>, transpose_lhs_hint = false} : vector<4096x128xbf16>, vector<256x128xbf16>, vector<4096x256xf32> -> vector<4096x256xf32>
    %exp23A_123 = math.exp2 %dot_general3A_111 : vector<4096x256xf32>
    %slice3A_124 = vector.extract_strided_slice %exp23A_123 {offsets = [0, 0], sizes = [4096, 128], strides = [1, 1]} : vector<4096x256xf32> to vector<4096x128xf32>
    %slice3A_125 = vector.extract_strided_slice %exp23A_123 {offsets = [0, 128], sizes = [4096, 128], strides = [1, 1]} : vector<4096x256xf32> to vector<4096x128xf32>
    %add3A_126 = arith.addf %slice3A_124, %slice3A_125 : vector<4096x128xf32>
    %add3A_127 = arith.addf %add3A_116, %add3A_126 : vector<4096x128xf32>
    %get3A_128 = arith.constant 3072 : index
    %get3A_129 = arith.constant 0 : index
    %get3A_130 = vector.load %arg2[%get3A_128, %get3A_129] : memref<10000x128xf32, #tpu.memory_space<vmem>>, vector<256x128xf32>
    %convert_element_type3A_131 = arith.truncf %get3A_130 : vector<256x128xf32> to vector<256x128xbf16>
    %dot_general3A_132 = arith.constant dense<0.000000e+00> : vector<4096x256xf32>
    %dot_general3A_133 = tpu.matmul %get3A_3, %convert_element_type3A_131, %dot_general3A_132 {dimension_numbers = #tpu.dot_dimension_numbers<[1], [1], [0], [0], [0, 0, 1, 0], [], []>, transpose_lhs_hint = false} : vector<4096x128xbf16>, vector<256x128xbf16>, vector<4096x256xf32> -> vector<4096x256xf32>
    %exp23A_134 = math.exp2 %dot_general3A_122 : vector<4096x256xf32>
    %slice3A_135 = vector.extract_strided_slice %exp23A_134 {offsets = [0, 0], sizes = [4096, 128], strides = [1, 1]} : vector<4096x256xf32> to vector<4096x128xf32>
    %slice3A_136 = vector.extract_strided_slice %exp23A_134 {offsets = [0, 128], sizes = [4096, 128], strides = [1, 1]} : vector<4096x256xf32> to vector<4096x128xf32>
    %add3A_137 = arith.addf %slice3A_135, %slice3A_136 : vector<4096x128xf32>
    %add3A_138 = arith.addf %add3A_127, %add3A_137 : vector<4096x128xf32>
    %get3A_139 = arith.constant 3328 : index
    %get3A_140 = arith.constant 0 : index
    %get3A_141 = vector.load %arg2[%get3A_139, %get3A_140] : memref<10000x128xf32, #tpu.memory_space<vmem>>, vector<256x128xf32>
    %convert_element_type3A_142 = arith.truncf %get3A_141 : vector<256x128xf32> to vector<256x128xbf16>
    %dot_general3A_143 = arith.constant dense<0.000000e+00> : vector<4096x256xf32>
    %dot_general3A_144 = tpu.matmul %get3A_3, %convert_element_type3A_142, %dot_general3A_143 {dimension_numbers = #tpu.dot_dimension_numbers<[1], [1], [0], [0], [0, 0, 1, 0], [], []>, transpose_lhs_hint = false} : vector<4096x128xbf16>, vector<256x128xbf16>, vector<4096x256xf32> -> vector<4096x256xf32>
    %exp23A_145 = math.exp2 %dot_general3A_133 : vector<4096x256xf32>
    %slice3A_146 = vector.extract_strided_slice %exp23A_145 {offsets = [0, 0], sizes = [4096, 128], strides = [1, 1]} : vector<4096x256xf32> to vector<4096x128xf32>
    %slice3A_147 = vector.extract_strided_slice %exp23A_145 {offsets = [0, 128], sizes = [4096, 128], strides = [1, 1]} : vector<4096x256xf32> to vector<4096x128xf32>
    %add3A_148 = arith.addf %slice3A_146, %slice3A_147 : vector<4096x128xf32>
    %add3A_149 = arith.addf %add3A_138, %add3A_148 : vector<4096x128xf32>
    %get3A_150 = arith.constant 3584 : index
    %get3A_151 = arith.constant 0 : index
    %get3A_152 = vector.load %arg2[%get3A_150, %get3A_151] : memref<10000x128xf32, #tpu.memory_space<vmem>>, vector<256x128xf32>
    %convert_element_type3A_153 = arith.truncf %get3A_152 : vector<256x128xf32> to vector<256x128xbf16>
    %dot_general3A_154 = arith.constant dense<0.000000e+00> : vector<4096x256xf32>
    %dot_general3A_155 = tpu.matmul %get3A_3, %convert_element_type3A_153, %dot_general3A_154 {dimension_numbers = #tpu.dot_dimension_numbers<[1], [1], [0], [0], [0, 0, 1, 0], [], []>, transpose_lhs_hint = false} : vector<4096x128xbf16>, vector<256x128xbf16>, vector<4096x256xf32> -> vector<4096x256xf32>
    %exp23A_156 = math.exp2 %dot_general3A_144 : vector<4096x256xf32>
    %slice3A_157 = vector.extract_strided_slice %exp23A_156 {offsets = [0, 0], sizes = [4096, 128], strides = [1, 1]} : vector<4096x256xf32> to vector<4096x128xf32>
    %slice3A_158 = vector.extract_strided_slice %exp23A_156 {offsets = [0, 128], sizes = [4096, 128], strides = [1, 1]} : vector<4096x256xf32> to vector<4096x128xf32>
    %add3A_159 = arith.addf %slice3A_157, %slice3A_158 : vector<4096x128xf32>
    %add3A_160 = arith.addf %add3A_149, %add3A_159 : vector<4096x128xf32>
    %get3A_161 = arith.constant 3840 : index
    %get3A_162 = arith.constant 0 : index
    %get3A_163 = vector.load %arg2[%get3A_161, %get3A_162] : memref<10000x128xf32, #tpu.memory_space<vmem>>, vector<256x128xf32>
    %convert_element_type3A_164 = arith.truncf %get3A_163 : vector<256x128xf32> to vector<256x128xbf16>
    %dot_general3A_165 = arith.constant dense<0.000000e+00> : vector<4096x256xf32>
    %dot_general3A_166 = tpu.matmul %get3A_3, %convert_element_type3A_164, %dot_general3A_165 {dimension_numbers = #tpu.dot_dimension_numbers<[1], [1], [0], [0], [0, 0, 1, 0], [], []>, transpose_lhs_hint = false} : vector<4096x128xbf16>, vector<256x128xbf16>, vector<4096x256xf32> -> vector<4096x256xf32>
    %exp23A_167 = math.exp2 %dot_general3A_155 : vector<4096x256xf32>
    %slice3A_168 = vector.extract_strided_slice %exp23A_167 {offsets = [0, 0], sizes = [4096, 128], strides = [1, 1]} : vector<4096x256xf32> to vector<4096x128xf32>
    %slice3A_169 = vector.extract_strided_slice %exp23A_167 {offsets = [0, 128], sizes = [4096, 128], strides = [1, 1]} : vector<4096x256xf32> to vector<4096x128xf32>
    %add3A_170 = arith.addf %slice3A_168, %slice3A_169 : vector<4096x128xf32>
    %add3A_171 = arith.addf %add3A_160, %add3A_170 : vector<4096x128xf32>
    %get3A_172 = arith.constant 4096 : index
    %get3A_173 = arith.constant 0 : index
    %get3A_174 = vector.load %arg2[%get3A_172, %get3A_173] : memref<10000x128xf32, #tpu.memory_space<vmem>>, vector<256x128xf32>
    %convert_element_type3A_175 = arith.truncf %get3A_174 : vector<256x128xf32> to vector<256x128xbf16>
    %dot_general3A_176 = arith.constant dense<0.000000e+00> : vector<4096x256xf32>
    %dot_general3A_177 = tpu.matmul %get3A_3, %convert_element_type3A_175, %dot_general3A_176 {dimension_numbers = #tpu.dot_dimension_numbers<[1], [1], [0], [0], [0, 0, 1, 0], [], []>, transpose_lhs_hint = false} : vector<4096x128xbf16>, vector<256x128xbf16>, vector<4096x256xf32> -> vector<4096x256xf32>
    %exp23A_178 = math.exp2 %dot_general3A_166 : vector<4096x256xf32>
    %slice3A_179 = vector.extract_strided_slice %exp23A_178 {offsets = [0, 0], sizes = [4096, 128], strides = [1, 1]} : vector<4096x256xf32> to vector<4096x128xf32>
    %slice3A_180 = vector.extract_strided_slice %exp23A_178 {offsets = [0, 128], sizes = [4096, 128], strides = [1, 1]} : vector<4096x256xf32> to vector<4096x128xf32>
    %add3A_181 = arith.addf %slice3A_179, %slice3A_180 : vector<4096x128xf32>
    %add3A_182 = arith.addf %add3A_171, %add3A_181 : vector<4096x128xf32>
    %get3A_183 = arith.constant 4352 : index
    %get3A_184 = arith.constant 0 : index
    %get3A_185 = vector.load %arg2[%get3A_183, %get3A_184] : memref<10000x128xf32, #tpu.memory_space<vmem>>, vector<256x128xf32>
    %convert_element_type3A_186 = arith.truncf %get3A_185 : vector<256x128xf32> to vector<256x128xbf16>
    %dot_general3A_187 = arith.constant dense<0.000000e+00> : vector<4096x256xf32>
    %dot_general3A_188 = tpu.matmul %get3A_3, %convert_element_type3A_186, %dot_general3A_187 {dimension_numbers = #tpu.dot_dimension_numbers<[1], [1], [0], [0], [0, 0, 1, 0], [], []>, transpose_lhs_hint = false} : vector<4096x128xbf16>, vector<256x128xbf16>, vector<4096x256xf32> -> vector<4096x256xf32>
    %exp23A_189 = math.exp2 %dot_general3A_177 : vector<4096x256xf32>
    %slice3A_190 = vector.extract_strided_slice %exp23A_189 {offsets = [0, 0], sizes = [4096, 128], strides = [1, 1]} : vector<4096x256xf32> to vector<4096x128xf32>
    %slice3A_191 = vector.extract_strided_slice %exp23A_189 {offsets = [0, 128], sizes = [4096, 128], strides = [1, 1]} : vector<4096x256xf32> to vector<4096x128xf32>
    %add3A_192 = arith.addf %slice3A_190, %slice3A_191 : vector<4096x128xf32>
    %add3A_193 = arith.addf %add3A_182, %add3A_192 : vector<4096x128xf32>
    %get3A_194 = arith.constant 4608 : index
    %get3A_195 = arith.constant 0 : index
    %get3A_196 = vector.load %arg2[%get3A_194, %get3A_195] : memref<10000x128xf32, #tpu.memory_space<vmem>>, vector<256x128xf32>
    %convert_element_type3A_197 = arith.truncf %get3A_196 : vector<256x128xf32> to vector<256x128xbf16>
    %dot_general3A_198 = arith.constant dense<0.000000e+00> : vector<4096x256xf32>
    %dot_general3A_199 = tpu.matmul %get3A_3, %convert_element_type3A_197, %dot_general3A_198 {dimension_numbers = #tpu.dot_dimension_numbers<[1], [1], [0], [0], [0, 0, 1, 0], [], []>, transpose_lhs_hint = false} : vector<4096x128xbf16>, vector<256x128xbf16>, vector<4096x256xf32> -> vector<4096x256xf32>
    %exp23A_200 = math.exp2 %dot_general3A_188 : vector<4096x256xf32>
    %slice3A_201 = vector.extract_strided_slice %exp23A_200 {offsets = [0, 0], sizes = [4096, 128], strides = [1, 1]} : vector<4096x256xf32> to vector<4096x128xf32>
    %slice3A_202 = vector.extract_strided_slice %exp23A_200 {offsets = [0, 128], sizes = [4096, 128], strides = [1, 1]} : vector<4096x256xf32> to vector<4096x128xf32>
    %add3A_203 = arith.addf %slice3A_201, %slice3A_202 : vector<4096x128xf32>
    %add3A_204 = arith.addf %add3A_193, %add3A_203 : vector<4096x128xf32>
    %get3A_205 = arith.constant 4864 : index
    %get3A_206 = arith.constant 0 : index
    %get3A_207 = vector.load %arg2[%get3A_205, %get3A_206] : memref<10000x128xf32, #tpu.memory_space<vmem>>, vector<256x128xf32>
    %convert_element_type3A_208 = arith.truncf %get3A_207 : vector<256x128xf32> to vector<256x128xbf16>
    %dot_general3A_209 = arith.constant dense<0.000000e+00> : vector<4096x256xf32>
    %dot_general3A_210 = tpu.matmul %get3A_3, %convert_element_type3A_208, %dot_general3A_209 {dimension_numbers = #tpu.dot_dimension_numbers<[1], [1], [0], [0], [0, 0, 1, 0], [], []>, transpose_lhs_hint = false} : vector<4096x128xbf16>, vector<256x128xbf16>, vector<4096x256xf32> -> vector<4096x256xf32>
    %exp23A_211 = math.exp2 %dot_general3A_199 : vector<4096x256xf32>
    %slice3A_212 = vector.extract_strided_slice %exp23A_211 {offsets = [0, 0], sizes = [4096, 128], strides = [1, 1]} : vector<4096x256xf32> to vector<4096x128xf32>
    %slice3A_213 = vector.extract_strided_slice %exp23A_211 {offsets = [0, 128], sizes = [4096, 128], strides = [1, 1]} : vector<4096x256xf32> to vector<4096x128xf32>
    %add3A_214 = arith.addf %slice3A_212, %slice3A_213 : vector<4096x128xf32>
    %add3A_215 = arith.addf %add3A_204, %add3A_214 : vector<4096x128xf32>
    %get3A_216 = arith.constant 5120 : index
    %get3A_217 = arith.constant 0 : index
    %get3A_218 = vector.load %arg2[%get3A_216, %get3A_217] : memref<10000x128xf32, #tpu.memory_space<vmem>>, vector<256x128xf32>
    %convert_element_type3A_219 = arith.truncf %get3A_218 : vector<256x128xf32> to vector<256x128xbf16>
    %dot_general3A_220 = arith.constant dense<0.000000e+00> : vector<4096x256xf32>
    %dot_general3A_221 = tpu.matmul %get3A_3, %convert_element_type3A_219, %dot_general3A_220 {dimension_numbers = #tpu.dot_dimension_numbers<[1], [1], [0], [0], [0, 0, 1, 0], [], []>, transpose_lhs_hint = false} : vector<4096x128xbf16>, vector<256x128xbf16>, vector<4096x256xf32> -> vector<4096x256xf32>
    %exp23A_222 = math.exp2 %dot_general3A_210 : vector<4096x256xf32>
    %slice3A_223 = vector.extract_strided_slice %exp23A_222 {offsets = [0, 0], sizes = [4096, 128], strides = [1, 1]} : vector<4096x256xf32> to vector<4096x128xf32>
    %slice3A_224 = vector.extract_strided_slice %exp23A_222 {offsets = [0, 128], sizes = [4096, 128], strides = [1, 1]} : vector<4096x256xf32> to vector<4096x128xf32>
    %add3A_225 = arith.addf %slice3A_223, %slice3A_224 : vector<4096x128xf32>
    %add3A_226 = arith.addf %add3A_215, %add3A_225 : vector<4096x128xf32>
    %get3A_227 = arith.constant 5376 : index
    %get3A_228 = arith.constant 0 : index
    %get3A_229 = vector.load %arg2[%get3A_227, %get3A_228] : memref<10000x128xf32, #tpu.memory_space<vmem>>, vector<256x128xf32>
    %convert_element_type3A_230 = arith.truncf %get3A_229 : vector<256x128xf32> to vector<256x128xbf16>
    %dot_general3A_231 = arith.constant dense<0.000000e+00> : vector<4096x256xf32>
    %dot_general3A_232 = tpu.matmul %get3A_3, %convert_element_type3A_230, %dot_general3A_231 {dimension_numbers = #tpu.dot_dimension_numbers<[1], [1], [0], [0], [0, 0, 1, 0], [], []>, transpose_lhs_hint = false} : vector<4096x128xbf16>, vector<256x128xbf16>, vector<4096x256xf32> -> vector<4096x256xf32>
    %exp23A_233 = math.exp2 %dot_general3A_221 : vector<4096x256xf32>
    %slice3A_234 = vector.extract_strided_slice %exp23A_233 {offsets = [0, 0], sizes = [4096, 128], strides = [1, 1]} : vector<4096x256xf32> to vector<4096x128xf32>
    %slice3A_235 = vector.extract_strided_slice %exp23A_233 {offsets = [0, 128], sizes = [4096, 128], strides = [1, 1]} : vector<4096x256xf32> to vector<4096x128xf32>
    %add3A_236 = arith.addf %slice3A_234, %slice3A_235 : vector<4096x128xf32>
    %add3A_237 = arith.addf %add3A_226, %add3A_236 : vector<4096x128xf32>
    %get3A_238 = arith.constant 5632 : index
    %get3A_239 = arith.constant 0 : index
    %get3A_240 = vector.load %arg2[%get3A_238, %get3A_239] : memref<10000x128xf32, #tpu.memory_space<vmem>>, vector<256x128xf32>
    %convert_element_type3A_241 = arith.truncf %get3A_240 : vector<256x128xf32> to vector<256x128xbf16>
    %dot_general3A_242 = arith.constant dense<0.000000e+00> : vector<4096x256xf32>
    %dot_general3A_243 = tpu.matmul %get3A_3, %convert_element_type3A_241, %dot_general3A_242 {dimension_numbers = #tpu.dot_dimension_numbers<[1], [1], [0], [0], [0, 0, 1, 0], [], []>, transpose_lhs_hint = false} : vector<4096x128xbf16>, vector<256x128xbf16>, vector<4096x256xf32> -> vector<4096x256xf32>
    %exp23A_244 = math.exp2 %dot_general3A_232 : vector<4096x256xf32>
    %slice3A_245 = vector.extract_strided_slice %exp23A_244 {offsets = [0, 0], sizes = [4096, 128], strides = [1, 1]} : vector<4096x256xf32> to vector<4096x128xf32>
    %slice3A_246 = vector.extract_strided_slice %exp23A_244 {offsets = [0, 128], sizes = [4096, 128], strides = [1, 1]} : vector<4096x256xf32> to vector<4096x128xf32>
    %add3A_247 = arith.addf %slice3A_245, %slice3A_246 : vector<4096x128xf32>
    %add3A_248 = arith.addf %add3A_237, %add3A_247 : vector<4096x128xf32>
    %get3A_249 = arith.constant 5888 : index
    %get3A_250 = arith.constant 0 : index
    %get3A_251 = vector.load %arg2[%get3A_249, %get3A_250] : memref<10000x128xf32, #tpu.memory_space<vmem>>, vector<256x128xf32>
    %convert_element_type3A_252 = arith.truncf %get3A_251 : vector<256x128xf32> to vector<256x128xbf16>
    %dot_general3A_253 = arith.constant dense<0.000000e+00> : vector<4096x256xf32>
    %dot_general3A_254 = tpu.matmul %get3A_3, %convert_element_type3A_252, %dot_general3A_253 {dimension_numbers = #tpu.dot_dimension_numbers<[1], [1], [0], [0], [0, 0, 1, 0], [], []>, transpose_lhs_hint = false} : vector<4096x128xbf16>, vector<256x128xbf16>, vector<4096x256xf32> -> vector<4096x256xf32>
    %exp23A_255 = math.exp2 %dot_general3A_243 : vector<4096x256xf32>
    %slice3A_256 = vector.extract_strided_slice %exp23A_255 {offsets = [0, 0], sizes = [4096, 128], strides = [1, 1]} : vector<4096x256xf32> to vector<4096x128xf32>
    %slice3A_257 = vector.extract_strided_slice %exp23A_255 {offsets = [0, 128], sizes = [4096, 128], strides = [1, 1]} : vector<4096x256xf32> to vector<4096x128xf32>
    %add3A_258 = arith.addf %slice3A_256, %slice3A_257 : vector<4096x128xf32>
    %add3A_259 = arith.addf %add3A_248, %add3A_258 : vector<4096x128xf32>
    %get3A_260 = arith.constant 6144 : index
    %get3A_261 = arith.constant 0 : index
    %get3A_262 = vector.load %arg2[%get3A_260, %get3A_261] : memref<10000x128xf32, #tpu.memory_space<vmem>>, vector<256x128xf32>
    %convert_element_type3A_263 = arith.truncf %get3A_262 : vector<256x128xf32> to vector<256x128xbf16>
    %dot_general3A_264 = arith.constant dense<0.000000e+00> : vector<4096x256xf32>
    %dot_general3A_265 = tpu.matmul %get3A_3, %convert_element_type3A_263, %dot_general3A_264 {dimension_numbers = #tpu.dot_dimension_numbers<[1], [1], [0], [0], [0, 0, 1, 0], [], []>, transpose_lhs_hint = false} : vector<4096x128xbf16>, vector<256x128xbf16>, vector<4096x256xf32> -> vector<4096x256xf32>
    %exp23A_266 = math.exp2 %dot_general3A_254 : vector<4096x256xf32>
    %slice3A_267 = vector.extract_strided_slice %exp23A_266 {offsets = [0, 0], sizes = [4096, 128], strides = [1, 1]} : vector<4096x256xf32> to vector<4096x128xf32>
    %slice3A_268 = vector.extract_strided_slice %exp23A_266 {offsets = [0, 128], sizes = [4096, 128], strides = [1, 1]} : vector<4096x256xf32> to vector<4096x128xf32>
    %add3A_269 = arith.addf %slice3A_267, %slice3A_268 : vector<4096x128xf32>
    %add3A_270 = arith.addf %add3A_259, %add3A_269 : vector<4096x128xf32>
    %get3A_271 = arith.constant 6400 : index
    %get3A_272 = arith.constant 0 : index
    %get3A_273 = vector.load %arg2[%get3A_271, %get3A_272] : memref<10000x128xf32, #tpu.memory_space<vmem>>, vector<256x128xf32>
    %convert_element_type3A_274 = arith.truncf %get3A_273 : vector<256x128xf32> to vector<256x128xbf16>
    %dot_general3A_275 = arith.constant dense<0.000000e+00> : vector<4096x256xf32>
    %dot_general3A_276 = tpu.matmul %get3A_3, %convert_element_type3A_274, %dot_general3A_275 {dimension_numbers = #tpu.dot_dimension_numbers<[1], [1], [0], [0], [0, 0, 1, 0], [], []>, transpose_lhs_hint = false} : vector<4096x128xbf16>, vector<256x128xbf16>, vector<4096x256xf32> -> vector<4096x256xf32>
    %exp23A_277 = math.exp2 %dot_general3A_265 : vector<4096x256xf32>
    %slice3A_278 = vector.extract_strided_slice %exp23A_277 {offsets = [0, 0], sizes = [4096, 128], strides = [1, 1]} : vector<4096x256xf32> to vector<4096x128xf32>
    %slice3A_279 = vector.extract_strided_slice %exp23A_277 {offsets = [0, 128], sizes = [4096, 128], strides = [1, 1]} : vector<4096x256xf32> to vector<4096x128xf32>
    %add3A_280 = arith.addf %slice3A_278, %slice3A_279 : vector<4096x128xf32>
    %add3A_281 = arith.addf %add3A_270, %add3A_280 : vector<4096x128xf32>
    %get3A_282 = arith.constant 6656 : index
    %get3A_283 = arith.constant 0 : index
    %get3A_284 = vector.load %arg2[%get3A_282, %get3A_283] : memref<10000x128xf32, #tpu.memory_space<vmem>>, vector<256x128xf32>
    %convert_element_type3A_285 = arith.truncf %get3A_284 : vector<256x128xf32> to vector<256x128xbf16>
    %dot_general3A_286 = arith.constant dense<0.000000e+00> : vector<4096x256xf32>
    %dot_general3A_287 = tpu.matmul %get3A_3, %convert_element_type3A_285, %dot_general3A_286 {dimension_numbers = #tpu.dot_dimension_numbers<[1], [1], [0], [0], [0, 0, 1, 0], [], []>, transpose_lhs_hint = false} : vector<4096x128xbf16>, vector<256x128xbf16>, vector<4096x256xf32> -> vector<4096x256xf32>
    %exp23A_288 = math.exp2 %dot_general3A_276 : vector<4096x256xf32>
    %slice3A_289 = vector.extract_strided_slice %exp23A_288 {offsets = [0, 0], sizes = [4096, 128], strides = [1, 1]} : vector<4096x256xf32> to vector<4096x128xf32>
    %slice3A_290 = vector.extract_strided_slice %exp23A_288 {offsets = [0, 128], sizes = [4096, 128], strides = [1, 1]} : vector<4096x256xf32> to vector<4096x128xf32>
    %add3A_291 = arith.addf %slice3A_289, %slice3A_290 : vector<4096x128xf32>
    %add3A_292 = arith.addf %add3A_281, %add3A_291 : vector<4096x128xf32>
    %get3A_293 = arith.constant 6912 : index
    %get3A_294 = arith.constant 0 : index
    %get3A_295 = vector.load %arg2[%get3A_293, %get3A_294] : memref<10000x128xf32, #tpu.memory_space<vmem>>, vector<256x128xf32>
    %convert_element_type3A_296 = arith.truncf %get3A_295 : vector<256x128xf32> to vector<256x128xbf16>
    %dot_general3A_297 = arith.constant dense<0.000000e+00> : vector<4096x256xf32>
    %dot_general3A_298 = tpu.matmul %get3A_3, %convert_element_type3A_296, %dot_general3A_297 {dimension_numbers = #tpu.dot_dimension_numbers<[1], [1], [0], [0], [0, 0, 1, 0], [], []>, transpose_lhs_hint = false} : vector<4096x128xbf16>, vector<256x128xbf16>, vector<4096x256xf32> -> vector<4096x256xf32>
    %exp23A_299 = math.exp2 %dot_general3A_287 : vector<4096x256xf32>
    %slice3A_300 = vector.extract_strided_slice %exp23A_299 {offsets = [0, 0], sizes = [4096, 128], strides = [1, 1]} : vector<4096x256xf32> to vector<4096x128xf32>
    %slice3A_301 = vector.extract_strided_slice %exp23A_299 {offsets = [0, 128], sizes = [4096, 128], strides = [1, 1]} : vector<4096x256xf32> to vector<4096x128xf32>
    %add3A_302 = arith.addf %slice3A_300, %slice3A_301 : vector<4096x128xf32>
    %add3A_303 = arith.addf %add3A_292, %add3A_302 : vector<4096x128xf32>
    %get3A_304 = arith.constant 7168 : index
    %get3A_305 = arith.constant 0 : index
    %get3A_306 = vector.load %arg2[%get3A_304, %get3A_305] : memref<10000x128xf32, #tpu.memory_space<vmem>>, vector<256x128xf32>
    %convert_element_type3A_307 = arith.truncf %get3A_306 : vector<256x128xf32> to vector<256x128xbf16>
    %dot_general3A_308 = arith.constant dense<0.000000e+00> : vector<4096x256xf32>
    %dot_general3A_309 = tpu.matmul %get3A_3, %convert_element_type3A_307, %dot_general3A_308 {dimension_numbers = #tpu.dot_dimension_numbers<[1], [1], [0], [0], [0, 0, 1, 0], [], []>, transpose_lhs_hint = false} : vector<4096x128xbf16>, vector<256x128xbf16>, vector<4096x256xf32> -> vector<4096x256xf32>
    %exp23A_310 = math.exp2 %dot_general3A_298 : vector<4096x256xf32>
    %slice3A_311 = vector.extract_strided_slice %exp23A_310 {offsets = [0, 0], sizes = [4096, 128], strides = [1, 1]} : vector<4096x256xf32> to vector<4096x128xf32>
    %slice3A_312 = vector.extract_strided_slice %exp23A_310 {offsets = [0, 128], sizes = [4096, 128], strides = [1, 1]} : vector<4096x256xf32> to vector<4096x128xf32>
    %add3A_313 = arith.addf %slice3A_311, %slice3A_312 : vector<4096x128xf32>
    %add3A_314 = arith.addf %add3A_303, %add3A_313 : vector<4096x128xf32>
    %get3A_315 = arith.constant 7424 : index
    %get3A_316 = arith.constant 0 : index
    %get3A_317 = vector.load %arg2[%get3A_315, %get3A_316] : memref<10000x128xf32, #tpu.memory_space<vmem>>, vector<256x128xf32>
    %convert_element_type3A_318 = arith.truncf %get3A_317 : vector<256x128xf32> to vector<256x128xbf16>
    %dot_general3A_319 = arith.constant dense<0.000000e+00> : vector<4096x256xf32>
    %dot_general3A_320 = tpu.matmul %get3A_3, %convert_element_type3A_318, %dot_general3A_319 {dimension_numbers = #tpu.dot_dimension_numbers<[1], [1], [0], [0], [0, 0, 1, 0], [], []>, transpose_lhs_hint = false} : vector<4096x128xbf16>, vector<256x128xbf16>, vector<4096x256xf32> -> vector<4096x256xf32>
    %exp23A_321 = math.exp2 %dot_general3A_309 : vector<4096x256xf32>
    %slice3A_322 = vector.extract_strided_slice %exp23A_321 {offsets = [0, 0], sizes = [4096, 128], strides = [1, 1]} : vector<4096x256xf32> to vector<4096x128xf32>
    %slice3A_323 = vector.extract_strided_slice %exp23A_321 {offsets = [0, 128], sizes = [4096, 128], strides = [1, 1]} : vector<4096x256xf32> to vector<4096x128xf32>
    %add3A_324 = arith.addf %slice3A_322, %slice3A_323 : vector<4096x128xf32>
    %add3A_325 = arith.addf %add3A_314, %add3A_324 : vector<4096x128xf32>
    %get3A_326 = arith.constant 7680 : index
    %get3A_327 = arith.constant 0 : index
    %get3A_328 = vector.load %arg2[%get3A_326, %get3A_327] : memref<10000x128xf32, #tpu.memory_space<vmem>>, vector<256x128xf32>
    %convert_element_type3A_329 = arith.truncf %get3A_328 : vector<256x128xf32> to vector<256x128xbf16>
    %dot_general3A_330 = arith.constant dense<0.000000e+00> : vector<4096x256xf32>
    %dot_general3A_331 = tpu.matmul %get3A_3, %convert_element_type3A_329, %dot_general3A_330 {dimension_numbers = #tpu.dot_dimension_numbers<[1], [1], [0], [0], [0, 0, 1, 0], [], []>, transpose_lhs_hint = false} : vector<4096x128xbf16>, vector<256x128xbf16>, vector<4096x256xf32> -> vector<4096x256xf32>
    %exp23A_332 = math.exp2 %dot_general3A_320 : vector<4096x256xf32>
    %slice3A_333 = vector.extract_strided_slice %exp23A_332 {offsets = [0, 0], sizes = [4096, 128], strides = [1, 1]} : vector<4096x256xf32> to vector<4096x128xf32>
    %slice3A_334 = vector.extract_strided_slice %exp23A_332 {offsets = [0, 128], sizes = [4096, 128], strides = [1, 1]} : vector<4096x256xf32> to vector<4096x128xf32>
    %add3A_335 = arith.addf %slice3A_333, %slice3A_334 : vector<4096x128xf32>
    %add3A_336 = arith.addf %add3A_325, %add3A_335 : vector<4096x128xf32>
    %get3A_337 = arith.constant 7936 : index
    %get3A_338 = arith.constant 0 : index
    %get3A_339 = vector.load %arg2[%get3A_337, %get3A_338] : memref<10000x128xf32, #tpu.memory_space<vmem>>, vector<256x128xf32>
    %convert_element_type3A_340 = arith.truncf %get3A_339 : vector<256x128xf32> to vector<256x128xbf16>
    %dot_general3A_341 = arith.constant dense<0.000000e+00> : vector<4096x256xf32>
    %dot_general3A_342 = tpu.matmul %get3A_3, %convert_element_type3A_340, %dot_general3A_341 {dimension_numbers = #tpu.dot_dimension_numbers<[1], [1], [0], [0], [0, 0, 1, 0], [], []>, transpose_lhs_hint = false} : vector<4096x128xbf16>, vector<256x128xbf16>, vector<4096x256xf32> -> vector<4096x256xf32>
    %exp23A_343 = math.exp2 %dot_general3A_331 : vector<4096x256xf32>
    %slice3A_344 = vector.extract_strided_slice %exp23A_343 {offsets = [0, 0], sizes = [4096, 128], strides = [1, 1]} : vector<4096x256xf32> to vector<4096x128xf32>
    %slice3A_345 = vector.extract_strided_slice %exp23A_343 {offsets = [0, 128], sizes = [4096, 128], strides = [1, 1]} : vector<4096x256xf32> to vector<4096x128xf32>
    %add3A_346 = arith.addf %slice3A_344, %slice3A_345 : vector<4096x128xf32>
    %add3A_347 = arith.addf %add3A_336, %add3A_346 : vector<4096x128xf32>
    %get3A_348 = arith.constant 8192 : index
    %get3A_349 = arith.constant 0 : index
    %get3A_350 = vector.load %arg2[%get3A_348, %get3A_349] : memref<10000x128xf32, #tpu.memory_space<vmem>>, vector<256x128xf32>
    %convert_element_type3A_351 = arith.truncf %get3A_350 : vector<256x128xf32> to vector<256x128xbf16>
    %dot_general3A_352 = arith.constant dense<0.000000e+00> : vector<4096x256xf32>
    %dot_general3A_353 = tpu.matmul %get3A_3, %convert_element_type3A_351, %dot_general3A_352 {dimension_numbers = #tpu.dot_dimension_numbers<[1], [1], [0], [0], [0, 0, 1, 0], [], []>, transpose_lhs_hint = false} : vector<4096x128xbf16>, vector<256x128xbf16>, vector<4096x256xf32> -> vector<4096x256xf32>
    %exp23A_354 = math.exp2 %dot_general3A_342 : vector<4096x256xf32>
    %slice3A_355 = vector.extract_strided_slice %exp23A_354 {offsets = [0, 0], sizes = [4096, 128], strides = [1, 1]} : vector<4096x256xf32> to vector<4096x128xf32>
    %slice3A_356 = vector.extract_strided_slice %exp23A_354 {offsets = [0, 128], sizes = [4096, 128], strides = [1, 1]} : vector<4096x256xf32> to vector<4096x128xf32>
    %add3A_357 = arith.addf %slice3A_355, %slice3A_356 : vector<4096x128xf32>
    %add3A_358 = arith.addf %add3A_347, %add3A_357 : vector<4096x128xf32>
    %get3A_359 = arith.constant 8448 : index
    %get3A_360 = arith.constant 0 : index
    %get3A_361 = vector.load %arg2[%get3A_359, %get3A_360] : memref<10000x128xf32, #tpu.memory_space<vmem>>, vector<256x128xf32>
    %convert_element_type3A_362 = arith.truncf %get3A_361 : vector<256x128xf32> to vector<256x128xbf16>
    %dot_general3A_363 = arith.constant dense<0.000000e+00> : vector<4096x256xf32>
    %dot_general3A_364 = tpu.matmul %get3A_3, %convert_element_type3A_362, %dot_general3A_363 {dimension_numbers = #tpu.dot_dimension_numbers<[1], [1], [0], [0], [0, 0, 1, 0], [], []>, transpose_lhs_hint = false} : vector<4096x128xbf16>, vector<256x128xbf16>, vector<4096x256xf32> -> vector<4096x256xf32>
    %exp23A_365 = math.exp2 %dot_general3A_353 : vector<4096x256xf32>
    %slice3A_366 = vector.extract_strided_slice %exp23A_365 {offsets = [0, 0], sizes = [4096, 128], strides = [1, 1]} : vector<4096x256xf32> to vector<4096x128xf32>
    %slice3A_367 = vector.extract_strided_slice %exp23A_365 {offsets = [0, 128], sizes = [4096, 128], strides = [1, 1]} : vector<4096x256xf32> to vector<4096x128xf32>
    %add3A_368 = arith.addf %slice3A_366, %slice3A_367 : vector<4096x128xf32>
    %add3A_369 = arith.addf %add3A_358, %add3A_368 : vector<4096x128xf32>
    %get3A_370 = arith.constant 8704 : index
    %get3A_371 = arith.constant 0 : index
    %get3A_372 = vector.load %arg2[%get3A_370, %get3A_371] : memref<10000x128xf32, #tpu.memory_space<vmem>>, vector<256x128xf32>
    %convert_element_type3A_373 = arith.truncf %get3A_372 : vector<256x128xf32> to vector<256x128xbf16>
    %dot_general3A_374 = arith.constant dense<0.000000e+00> : vector<4096x256xf32>
    %dot_general3A_375 = tpu.matmul %get3A_3, %convert_element_type3A_373, %dot_general3A_374 {dimension_numbers = #tpu.dot_dimension_numbers<[1], [1], [0], [0], [0, 0, 1, 0], [], []>, transpose_lhs_hint = false} : vector<4096x128xbf16>, vector<256x128xbf16>, vector<4096x256xf32> -> vector<4096x256xf32>
    %exp23A_376 = math.exp2 %dot_general3A_364 : vector<4096x256xf32>
    %slice3A_377 = vector.extract_strided_slice %exp23A_376 {offsets = [0, 0], sizes = [4096, 128], strides = [1, 1]} : vector<4096x256xf32> to vector<4096x128xf32>
    %slice3A_378 = vector.extract_strided_slice %exp23A_376 {offsets = [0, 128], sizes = [4096, 128], strides = [1, 1]} : vector<4096x256xf32> to vector<4096x128xf32>
    %add3A_379 = arith.addf %slice3A_377, %slice3A_378 : vector<4096x128xf32>
    %add3A_380 = arith.addf %add3A_369, %add3A_379 : vector<4096x128xf32>
    %get3A_381 = arith.constant 8960 : index
    %get3A_382 = arith.constant 0 : index
    %get3A_383 = vector.load %arg2[%get3A_381, %get3A_382] : memref<10000x128xf32, #tpu.memory_space<vmem>>, vector<256x128xf32>
    %convert_element_type3A_384 = arith.truncf %get3A_383 : vector<256x128xf32> to vector<256x128xbf16>
    %dot_general3A_385 = arith.constant dense<0.000000e+00> : vector<4096x256xf32>
    %dot_general3A_386 = tpu.matmul %get3A_3, %convert_element_type3A_384, %dot_general3A_385 {dimension_numbers = #tpu.dot_dimension_numbers<[1], [1], [0], [0], [0, 0, 1, 0], [], []>, transpose_lhs_hint = false} : vector<4096x128xbf16>, vector<256x128xbf16>, vector<4096x256xf32> -> vector<4096x256xf32>
    %exp23A_387 = math.exp2 %dot_general3A_375 : vector<4096x256xf32>
    %slice3A_388 = vector.extract_strided_slice %exp23A_387 {offsets = [0, 0], sizes = [4096, 128], strides = [1, 1]} : vector<4096x256xf32> to vector<4096x128xf32>
    %slice3A_389 = vector.extract_strided_slice %exp23A_387 {offsets = [0, 128], sizes = [4096, 128], strides = [1, 1]} : vector<4096x256xf32> to vector<4096x128xf32>
    %add3A_390 = arith.addf %slice3A_388, %slice3A_389 : vector<4096x128xf32>
    %add3A_391 = arith.addf %add3A_380, %add3A_390 : vector<4096x128xf32>
    %get3A_392 = arith.constant 9216 : index
    %get3A_393 = arith.constant 0 : index
    %get3A_394 = vector.load %arg2[%get3A_392, %get3A_393] : memref<10000x128xf32, #tpu.memory_space<vmem>>, vector<256x128xf32>
    %convert_element_type3A_395 = arith.truncf %get3A_394 : vector<256x128xf32> to vector<256x128xbf16>
    %dot_general3A_396 = arith.constant dense<0.000000e+00> : vector<4096x256xf32>
    %dot_general3A_397 = tpu.matmul %get3A_3, %convert_element_type3A_395, %dot_general3A_396 {dimension_numbers = #tpu.dot_dimension_numbers<[1], [1], [0], [0], [0, 0, 1, 0], [], []>, transpose_lhs_hint = false} : vector<4096x128xbf16>, vector<256x128xbf16>, vector<4096x256xf32> -> vector<4096x256xf32>
    %exp23A_398 = math.exp2 %dot_general3A_386 : vector<4096x256xf32>
    %slice3A_399 = vector.extract_strided_slice %exp23A_398 {offsets = [0, 0], sizes = [4096, 128], strides = [1, 1]} : vector<4096x256xf32> to vector<4096x128xf32>
    %slice3A_400 = vector.extract_strided_slice %exp23A_398 {offsets = [0, 128], sizes = [4096, 128], strides = [1, 1]} : vector<4096x256xf32> to vector<4096x128xf32>
    %add3A_401 = arith.addf %slice3A_399, %slice3A_400 : vector<4096x128xf32>
    %add3A_402 = arith.addf %add3A_391, %add3A_401 : vector<4096x128xf32>
    %get3A_403 = arith.constant 9472 : index
    %get3A_404 = arith.constant 0 : index
    %get3A_405 = vector.load %arg2[%get3A_403, %get3A_404] : memref<10000x128xf32, #tpu.memory_space<vmem>>, vector<256x128xf32>
    %convert_element_type3A_406 = arith.truncf %get3A_405 : vector<256x128xf32> to vector<256x128xbf16>
    %dot_general3A_407 = arith.constant dense<0.000000e+00> : vector<4096x256xf32>
    %dot_general3A_408 = tpu.matmul %get3A_3, %convert_element_type3A_406, %dot_general3A_407 {dimension_numbers = #tpu.dot_dimension_numbers<[1], [1], [0], [0], [0, 0, 1, 0], [], []>, transpose_lhs_hint = false} : vector<4096x128xbf16>, vector<256x128xbf16>, vector<4096x256xf32> -> vector<4096x256xf32>
    %exp23A_409 = math.exp2 %dot_general3A_397 : vector<4096x256xf32>
    %slice3A_410 = vector.extract_strided_slice %exp23A_409 {offsets = [0, 0], sizes = [4096, 128], strides = [1, 1]} : vector<4096x256xf32> to vector<4096x128xf32>
    %slice3A_411 = vector.extract_strided_slice %exp23A_409 {offsets = [0, 128], sizes = [4096, 128], strides = [1, 1]} : vector<4096x256xf32> to vector<4096x128xf32>
    %add3A_412 = arith.addf %slice3A_410, %slice3A_411 : vector<4096x128xf32>
    %add3A_413 = arith.addf %add3A_402, %add3A_412 : vector<4096x128xf32>
    %get3A_414 = arith.constant 9728 : index
    %get3A_415 = arith.constant 0 : index
    %get3A_416 = vector.load %arg2[%get3A_414, %get3A_415] : memref<10000x128xf32, #tpu.memory_space<vmem>>, vector<256x128xf32>
    %convert_element_type3A_417 = arith.truncf %get3A_416 : vector<256x128xf32> to vector<256x128xbf16>
    %dot_general3A_418 = arith.constant dense<0.000000e+00> : vector<4096x256xf32>
    %dot_general3A_419 = tpu.matmul %get3A_3, %convert_element_type3A_417, %dot_general3A_418 {dimension_numbers = #tpu.dot_dimension_numbers<[1], [1], [0], [0], [0, 0, 1, 0], [], []>, transpose_lhs_hint = false} : vector<4096x128xbf16>, vector<256x128xbf16>, vector<4096x256xf32> -> vector<4096x256xf32>
    %exp23A_420 = math.exp2 %dot_general3A_408 : vector<4096x256xf32>
    %slice3A_421 = vector.extract_strided_slice %exp23A_420 {offsets = [0, 0], sizes = [4096, 128], strides = [1, 1]} : vector<4096x256xf32> to vector<4096x128xf32>
    %slice3A_422 = vector.extract_strided_slice %exp23A_420 {offsets = [0, 128], sizes = [4096, 128], strides = [1, 1]} : vector<4096x256xf32> to vector<4096x128xf32>
    %add3A_423 = arith.addf %slice3A_421, %slice3A_422 : vector<4096x128xf32>
    %add3A_424 = arith.addf %add3A_413, %add3A_423 : vector<4096x128xf32>
    %get3A_425 = arith.constant 9984 : index
    %get3A_426 = arith.constant 0 : index
    %get3A_427 = vector.load %arg2[%get3A_425, %get3A_426] : memref<10000x128xf32, #tpu.memory_space<vmem>>, vector<16x128xf32>
    %convert_element_type3A_428 = arith.truncf %get3A_427 : vector<16x128xf32> to vector<16x128xbf16>
    %dot_general3A_429 = arith.constant dense<0.000000e+00> : vector<4096x16xf32>
    %dot_general3A_430 = tpu.matmul %get3A_3, %convert_element_type3A_428, %dot_general3A_429 {dimension_numbers = #tpu.dot_dimension_numbers<[1], [1], [0], [0], [0, 0, 1, 0], [], []>, transpose_lhs_hint = false} : vector<4096x128xbf16>, vector<16x128xbf16>, vector<4096x16xf32> -> vector<4096x16xf32>
    %exp23A_431 = math.exp2 %dot_general3A_419 : vector<4096x256xf32>
    %slice3A_432 = vector.extract_strided_slice %exp23A_431 {offsets = [0, 0], sizes = [4096, 128], strides = [1, 1]} : vector<4096x256xf32> to vector<4096x128xf32>
    %slice3A_433 = vector.extract_strided_slice %exp23A_431 {offsets = [0, 128], sizes = [4096, 128], strides = [1, 1]} : vector<4096x256xf32> to vector<4096x128xf32>
    %add3A_434 = arith.addf %slice3A_432, %slice3A_433 : vector<4096x128xf32>
    %add3A_435 = arith.addf %add3A_424, %add3A_434 : vector<4096x128xf32>
    %exp23A_436 = math.exp2 %dot_general3A_430 : vector<4096x16xf32>
    %jit3A = arith.constant 0 : i32
    %convert_element_type3A_437 = arith.sitofp %jit3A : i32 to f32
    %pad3A = vector.broadcast %convert_element_type3A_437 : f32 to vector<4096x112xf32>
    %pad3A_438 = tpu.concatenate %exp23A_436, %pad3A in 1 : vector<4096x16xf32>, vector<4096x112xf32> -> vector<4096x128xf32>
    %add3A_439 = arith.addf %add3A_435, %pad3A_438 : vector<4096x128xf32>
    %get3A_440 = arith.constant 0 : index
    %get3A_441 = arith.constant 0 : index
    %get3A_442 = vector.load %arg6[%get3A_440, %get3A_441] : memref<4096x128xf32, #tpu.memory_space<vmem>>, vector<4096x128xf32>
    %add3A_443 = arith.addf %get3A_442, %add3A_439 : vector<4096x128xf32>
    %swap3A = arith.constant 0 : index
    %swap3A_444 = arith.constant 0 : index
    %swap3A_445 = vector.load %arg6[%swap3A, %swap3A_444] : memref<4096x128xf32, #tpu.memory_space<vmem>>, vector<4096x128xf32>
    tpu.vector_store %arg6[%swap3A, %swap3A_444], %add3A_443 {strides = array<i32>} : memref<4096x128xf32, #tpu.memory_space<vmem>>, vector<4096x128xf32>,
    %eq3A_446 = arith.constant 9 : i32
    %eq3A_447 = arith.cmpi eq, %arg0, %eq3A_446 : i32
    %convert_element_type3A_448 = arith.extui %eq3A_447 : i1 to i32
    %cond3A_449 = arith.constant 0 : i32
    %cond3A_450 = arith.cmpi ne, %convert_element_type3A_448, %cond3A_449 : i32
    scf.if %cond3A_450 {
      %get3A_451 = arith.constant 0 : index
      %get3A_452 = arith.constant 0 : index
      %get3A_453 = vector.load %arg6[%get3A_451, %get3A_452] : memref<4096x128xf32, #tpu.memory_space<vmem>>, vector<4096x128xf32>
      %reduce_sum3A = arith.constant dense<0.000000e+00> : vector<4096xf32>
      %reduce_sum3A_454 = vector.multi_reduction <add>, %get3A_453, %reduce_sum3A [1] : vector<4096x128xf32> to vector<4096xf32>
      %broadcast_in_dim3A_455 = vector.shape_cast %reduce_sum3A_454 : vector<4096xf32> to vector<4096x1xf32>
      %swap3A_456 = arith.constant 0 : index
      %swap3A_457 = arith.constant 0 : index
      %swap3A_458 = vector.load %arg4[%swap3A_456, %swap3A_457] : memref<4096x1xf32, #tpu.memory_space<vmem>>, vector<4096x1xf32>
      tpu.vector_store %arg4[%swap3A_456, %swap3A_457], %broadcast_in_dim3A_455 {strides = array<i32>} : memref<4096x1xf32, #tpu.memory_space<vmem>>, vector<4096x1xf32>,
    } else {
    }
    return
  }
  func.func @transform_0(%arg0: i32) -> (i32, i32) {
    %c0_i32 = arith.constant 0 : i32
    %c0_i32_0 = arith.constant 0 : i32
    %c0_i32_1 = arith.constant 0 : i32
    return %c0_i32, %c0_i32_0 : i32, i32
  }
  func.func @transform_1(%arg0: i32) -> (i32, i32) {
    %c0_i32 = arith.constant 0 : i32
    %c0_i32_0 = arith.constant 0 : i32
    return %arg0, %c0_i32 : i32, i32
  }
  func.func @transform_2(%arg0: i32) -> (i32, i32) {
    %c0_i32 = arith.constant 0 : i32
    %c0_i32_0 = arith.constant 0 : i32
    %c0_i32_1 = arith.constant 0 : i32
    return %c0_i32, %c0_i32_0 : i32, i32
  }
  func.func @transform_3(%arg0: i32) -> (i32, i32) {
    %c0_i32 = arith.constant 0 : i32
    %c0_i32_0 = arith.constant 0 : i32
    %c0_i32_1 = arith.constant 0 : i32
    return %c0_i32, %c0_i32_0 : i32, i32
  }
}

module attributes {stable_mosaic.version = 14 : i64} {
  func.func @_loss_body(%arg0: memref<4096x128xf32, #tpu.memory_space<vmem>>, %arg1: memref<4096x1xf32, #tpu.memory_space<vmem>>, %arg2: memref<4096x1xi32, #tpu.memory_space<vmem>>, %arg3: memref<4096x128xf32, #tpu.memory_space<vmem>>, %arg4: memref<4096x128xf32, #tpu.memory_space<vmem>>, %arg5: memref<4096x128xf32, #tpu.memory_space<vmem>>, %arg6: memref<1x1xf32, #tpu.memory_space<vmem>>, %arg7: memref<1x1xf32, #tpu.memory_space<vmem>>) attributes {dimension_semantics = [], scalar_prefetch = 0 : i64, scratch_operands = 0 : i64, tpu.core_type = #tpu.core_type<tc>} {
    %get3A = arith.constant 0 : index
    %get3A_0 = arith.constant 0 : index
    %get3A_1 = vector.load %arg0[%get3A, %get3A_0] : memref<4096x128xf32, #tpu.memory_space<vmem>>, vector<4096x128xf32>
    %get3A_2 = arith.constant 0 : index
    %get3A_3 = arith.constant 0 : index
    %get3A_4 = vector.load %arg1[%get3A_2, %get3A_3] : memref<4096x1xf32, #tpu.memory_space<vmem>>, vector<4096x1xf32>
    %div3A = arith.constant 1.000000e+00 : f32
    %div3A_5 = vector.broadcast %div3A : f32 to vector<4096x1xf32>
    %div3A_6 = arith.divf %div3A_5, %get3A_4 : vector<4096x1xf32>
    %get3A_7 = arith.constant 0 : index
    %get3A_8 = arith.constant 0 : index
    %get3A_9 = vector.load %arg3[%get3A_7, %get3A_8] : memref<4096x128xf32, #tpu.memory_space<vmem>>, vector<4096x128xf32>
    %mul3A = arith.mulf %get3A_1, %get3A_9 : vector<4096x128xf32>
    %reduce_sum3A = arith.constant dense<0.000000e+00> : vector<4096xf32>
    %reduce_sum3A_10 = vector.multi_reduction <add>, %mul3A, %reduce_sum3A [1] : vector<4096x128xf32> to vector<4096xf32>
    %broadcast_in_dim3A = vector.shape_cast %reduce_sum3A_10 : vector<4096xf32> to vector<4096x1xf32>
    %exp23A = math.exp2 %broadcast_in_dim3A : vector<4096x1xf32>
    %mul3A_11 = arith.mulf %exp23A, %div3A_6 : vector<4096x1xf32>
    %get3A_12 = arith.constant 0 : index
    %get3A_13 = arith.constant 0 : index
    %get3A_14 = vector.load %arg4[%get3A_12, %get3A_13] : memref<4096x128xf32, #tpu.memory_space<vmem>>, vector<4096x128xf32>
    %mul3A_15 = arith.mulf %get3A_1, %get3A_14 : vector<4096x128xf32>
    %reduce_sum3A_16 = arith.constant dense<0.000000e+00> : vector<4096xf32>
    %reduce_sum3A_17 = vector.multi_reduction <add>, %mul3A_15, %reduce_sum3A_16 [1] : vector<4096x128xf32> to vector<4096xf32>
    %broadcast_in_dim3A_18 = vector.shape_cast %reduce_sum3A_17 : vector<4096xf32> to vector<4096x1xf32>
    %exp23A_19 = math.exp2 %broadcast_in_dim3A_18 : vector<4096x1xf32>
    %mul3A_20 = arith.mulf %exp23A_19, %div3A_6 : vector<4096x1xf32>
    %get3A_21 = arith.constant 0 : index
    %get3A_22 = arith.constant 0 : index
    %get3A_23 = vector.load %arg5[%get3A_21, %get3A_22] : memref<4096x128xf32, #tpu.memory_space<vmem>>, vector<4096x128xf32>
    %mul3A_24 = arith.mulf %get3A_1, %get3A_23 : vector<4096x128xf32>
    %reduce_sum3A_25 = arith.constant dense<0.000000e+00> : vector<4096xf32>
    %reduce_sum3A_26 = vector.multi_reduction <add>, %mul3A_24, %reduce_sum3A_25 [1] : vector<4096x128xf32> to vector<4096xf32>
    %broadcast_in_dim3A_27 = vector.shape_cast %reduce_sum3A_26 : vector<4096xf32> to vector<4096x1xf32>
    %exp23A_28 = math.exp2 %broadcast_in_dim3A_27 : vector<4096x1xf32>
    %mul3A_29 = arith.mulf %exp23A_28, %div3A_6 : vector<4096x1xf32>
    %get3A_30 = arith.constant 0 : index
    %get3A_31 = arith.constant 0 : index
    %get3A_32 = vector.load %arg2[%get3A_30, %get3A_31] : memref<4096x1xi32, #tpu.memory_space<vmem>>, vector<4096x1xi32>
    %add3A = arith.addf %mul3A_11, %mul3A_20 : vector<4096x1xf32>
    %add3A_33 = arith.constant 9.99999996E-13 : f32
    %add3A_34 = vector.broadcast %add3A_33 : f32 to vector<4096x1xf32>
    %add3A_35 = arith.addf %add3A, %add3A_34 : vector<4096x1xf32>
    %log3A = math.log %add3A_35 : vector<4096x1xf32>
    %add3A_36 = arith.addf %mul3A_11, %mul3A_29 : vector<4096x1xf32>
    %add3A_37 = arith.addf %add3A_36, %mul3A_20 : vector<4096x1xf32>
    %add3A_38 = arith.constant 9.99999996E-13 : f32
    %add3A_39 = vector.broadcast %add3A_38 : f32 to vector<4096x1xf32>
    %add3A_40 = arith.addf %add3A_37, %add3A_39 : vector<4096x1xf32>
    %log3A_41 = math.log %add3A_40 : vector<4096x1xf32>
    %lt3A = arith.constant 0 : i32
    %lt3A_42 = vector.broadcast %lt3A : i32 to vector<4096x1xi32>
    %lt3A_43 = arith.cmpi slt, %get3A_32, %lt3A_42 : vector<4096x1xi32>
    %jit3A = arith.constant 0.000000e+00 : f32
    %broadcast_in_dim3A_44 = vector.broadcast %jit3A : f32 to vector<4096x1xf32>
    %select_n3A = arith.select %lt3A_43, %log3A, %broadcast_in_dim3A_44 : vector<4096x1xi1>, vector<4096x1xf32>
    %reduce_sum3A_45 = vector.shape_cast %select_n3A : vector<4096x1xf32> to vector<1x4096x1xf32>
    %reduce_sum3A_46 = arith.constant dense<0.000000e+00> : vector<1xf32>
    %reduce_sum3A_47 = vector.multi_reduction <add>, %reduce_sum3A_45, %reduce_sum3A_46 [1, 2] : vector<1x4096x1xf32> to vector<1xf32>
    %reduce_sum3A_48 = vector.shape_cast %reduce_sum3A_47 : vector<1xf32> to vector<1x1x1xf32>
    %reduce_sum3A_49 = vector.extract %reduce_sum3A_48[0, 0, 0] : f32 from vector<1x1x1xf32>
    %mul3A_50 = arith.constant -4.8828125E-4 : f32
    %mul3A_51 = arith.mulf %reduce_sum3A_49, %mul3A_50 : f32
    %ge3A = arith.constant 0 : i32
    %ge3A_52 = vector.broadcast %ge3A : i32 to vector<4096x1xi32>
    %ge3A_53 = arith.cmpi sge, %get3A_32, %ge3A_52 : vector<4096x1xi32>
    %jit3A_54 = arith.constant 0.000000e+00 : f32
    %broadcast_in_dim3A_55 = vector.broadcast %jit3A_54 : f32 to vector<4096x1xf32>
    %select_n3A_56 = arith.select %ge3A_53, %log3A_41, %broadcast_in_dim3A_55 : vector<4096x1xi1>, vector<4096x1xf32>
    %reduce_sum3A_57 = vector.shape_cast %select_n3A_56 : vector<4096x1xf32> to vector<1x4096x1xf32>
    %reduce_sum3A_58 = arith.constant dense<0.000000e+00> : vector<1xf32>
    %reduce_sum3A_59 = vector.multi_reduction <add>, %reduce_sum3A_57, %reduce_sum3A_58 [1, 2] : vector<1x4096x1xf32> to vector<1xf32>
    %reduce_sum3A_60 = vector.shape_cast %reduce_sum3A_59 : vector<1xf32> to vector<1x1x1xf32>
    %reduce_sum3A_61 = vector.extract %reduce_sum3A_60[0, 0, 0] : f32 from vector<1x1x1xf32>
    %mul3A_62 = arith.constant -4.8828125E-4 : f32
    %mul3A_63 = arith.mulf %reduce_sum3A_61, %mul3A_62 : f32
    %broadcast_in_dim3A_64 = vector.broadcast %mul3A_51 : f32 to vector<1x1xf32>
    %swap3A = arith.constant 0 : index
    %swap3A_65 = arith.constant 0 : index
    %swap3A_66 = vector.load %arg6[%swap3A, %swap3A_65] : memref<1x1xf32, #tpu.memory_space<vmem>>, vector<1x1xf32>
    tpu.vector_store %arg6[%swap3A, %swap3A_65], %broadcast_in_dim3A_64 {strides = array<i32>} : memref<1x1xf32, #tpu.memory_space<vmem>>, vector<1x1xf32>,
    %broadcast_in_dim3A_67 = vector.broadcast %mul3A_63 : f32 to vector<1x1xf32>
    %swap3A_68 = arith.constant 0 : index
    %swap3A_69 = arith.constant 0 : index
    %swap3A_70 = vector.load %arg7[%swap3A_68, %swap3A_69] : memref<1x1xf32, #tpu.memory_space<vmem>>, vector<1x1xf32>
    tpu.vector_store %arg7[%swap3A_68, %swap3A_69], %broadcast_in_dim3A_67 {strides = array<i32>} : memref<1x1xf32, #tpu.memory_space<vmem>>, vector<1x1xf32>,
    return
  }
}

</mosaic_0001>

<sc_bundles>
// kernel: kernel.5.cloned.1.call-start
scs
__scs_entry_jumppad:
0x0: {  	(pc) =	sbr.rel $0x88, $3  }
0x1: {  	(tag) =	ssettag $0x0;
	lr =	simm.s32 $0x1  }
0x2: {  	[smem:$0x3F9B] =	sst lr;
	_ =	strace $0xD0000000  }
0x3: {  	_ = 	snop  }
0x4: {  	_ = 	snop  }
0x5: {  	_ = 	snop  }
0x6: {  	_ = 	snop  }
0x7: {  	_ = 	snop  }
__scs_overlays_trampoline_lowered:
0x8: {  	[smem:$0x3FAA] =	sst s0  }
0x9: {  	[smem:$0x3FAB] =	sst s1  }
0xa: {  	[smem:$0x3FAC] =	sst s2  }
0xb: {  	[smem:$0x3FAD] =	sst s3  }
0xc: {  	[smem:$0x3FAE] =	sst s4  }
0xd: {  	[smem:$0x3FAF] =	sst s5  }
0xe: {  	[smem:$0x3FB0] =	sst s6  }
0xf: {  	[smem:$0x3FB1] =	sst s7  }
0x10: {  	[smem:$0x3FB2] =	sst s8  }
0x11: {  	[smem:$0x3FB3] =	sst s9;
	s0 =	simm.s32 @!p0 $0x0  }
0x12: {  	s1 =	sld [smem:$0x3F99];
	s0 =	simm.s32 @p0 $0x1  }
0x13: {  	[smem:$0x3FB4] =	sst s0;
	s0 =	simm.s32 @!p1 $0x0  }
0x14: {  	s2 =	sld [smem:$0x3F98];
	s0 =	simm.s32 @p1 $0x1  }
0x15: {  	[smem:$0x3FB5] =	sst s0;
	s0 =	simm.s32 @!p2 $0x0  }
0x16: {  	s3 =	sld [smem:$0x3FDB];
	s0 =	simm.s32 @p2 $0x1  }
0x17: {  	s4 =	simm.s32 $0x1BF5;
	[smem:$0x3FB7] =	sst s0  }
0x18: {  	s0 =	sld [smem:$0x3F9A];
	_ =	swait.ge [sflag:s4], $0x0  }
0x19: {  	s7 =	sld [smem:$0x3F9B]  }
0x1a: {  	s8 =	sadd.s32 $0xFFFFE003, lr  }
0x1b: {  	s9 =	sadd.s32 $0xFFFFFEF7, lr;
	s5 =	simm.s32 $0xFFFFFFFF;
	p2 =	slt.u32 s8, $0xFFFFF086  }
0x1c: {  	p1 =	slt.u32 s9, $0xF7A;
	s5 =	simm.s32 @!p2 $0x0  }
0x1d: {  	s5 =	simm.s32 @p1 $0x1;
	p0 =	seq.s32 s7, s2  }
0x1e: {  	s7 =	smul.u32 @!p0 $0xF7A, s2;
	p2 =	seq.s32 @!p0 s5, $0x0  }
0x1f: {  	s9 =	smul.u32 $0xF7A, s1;
	s8 =	simm.s32 @!p0 $0x1BF5;
	p2 =	por !p2, p0  }
0x20: {  	[sflag:s8] =	ssyncset.s32 @!p0 $0xFFFFF086;
	s6 =	sadd.s32 @!p0 s3, s7;
	s7 =	simm.s32 @!p0 $0x108  }
0x21: {  	s3 =	sadd.s32 s3, s9;
	s6 =	sadd.s32 @!p0 $0x88, s6;
	s7 =	simm.s32 @p2 $0x1082  }
0x22: {  	[simem:s7], [sflag:s8] =	dma.local @!p0 [hbm:s6], $0xF7A  }
0x23: {  	s9 =	sor.u32 $0xD0000000, s2;
	s6 =	simm.s32 $0x108;
	_ =	swait.ge @!p0 [sflag:s8], $0x0  }
0x24: {  	s3 =	sadd.s32 $0x88, s3;
	s6 =	simm.s32 @!p1 $0x1082;
	[sflag:s4] =	ssyncset.s32 $0xFFFFF086  }
0x25: {  	[simem:s6], [sflag:s4] =	dma.local [hbm:s3], $0xF7A  }
0x26: {  	[smem:$0x3F9B] =	sst s1;
	(tag) =	ssettag s2;
	_ =	strace s9  }
0x27: {  	s1 =	sld [smem:$0x3FAB]  }
0x28: {  	s2 =	sld [smem:$0x3FAC]  }
0x29: {  	s4 =	sld [smem:$0x3FAE]  }
0x2a: {  	p0 =	seq.s32 s5, $0x0;
	s5 =	sld [smem:$0x3FAF]  }
0x2b: {  	s6 =	sld [smem:$0x3FB0]  }
0x2c: {  	s7 =	sld [smem:$0x3FB1]  }
0x2d: {  	s3 =	simm.s32 $0x108;
	s8 =	sld [smem:$0x3FB2]  }
0x2e: {  	s3 =	simm.s32 @!p0 $0x1082;
	s9 =	sld [smem:$0x3FB3]  }
0x2f: {  	lr =	sadd.s32 s0, s3;
	s0 =	sld [smem:$0x3FAA]  }
0x30: {  	s3 =	sld [smem:$0x3FAD]  }
0x31: {  	[smem:$0x3FB6] =	sst s10  }
0x32: {  	s10 =	sld [smem:$0x3FB4];
	_ =	sdelay $0x3  }
0x33: {  	p0 =	seq.s32 s10, $0x1;
	s10 =	sld [smem:$0x3FB6];
	_ =	sdelay $0x3  }
0x34: {  	[smem:$0x3FB6] =	sst s10  }
0x35: {  	s10 =	sld [smem:$0x3FB5];
	_ =	sdelay $0x3  }
0x36: {  	p1 =	seq.s32 s10, $0x1;
	s10 =	sld [smem:$0x3FB6];
	_ =	sdelay $0x3  }
0x37: {  	[smem:$0x3FB6] =	sst s10  }
0x38: {  	s10 =	sld [smem:$0x3FB7]  }
0x39: {  	_ = 	snop;
	(pc) =	sbr.ind lr, $3  }
0x3a: {  	_ = 	snop  }
0x3b: {  	_ = 	snop  }
0x3c: {  	p2 =	seq.s32 s10, $0x1;
	s10 =	sld [smem:$0x3FB6]  }
0x3d: {  	_ =	shalt  }
0x3e: {  	_ =	shalt  }
0x3f: {  	_ =	shalt  }
0x40: {  	_ =	shalt  }
0x41: {  	_ =	shalt  }
0x42: {  	_ =	shalt  }
0x43: {  	_ =	shalt  }
0x44: {  	_ =	shalt  }
0x45: {  	_ =	shalt  }
0x46: {  	_ =	shalt  }
0x47: {  	_ =	shalt  }
0x48: {  	_ =	shalt  }
0x49: {  	_ =	shalt  }
0x4a: {  	_ =	shalt  }
0x4b: {  	_ =	shalt  }
0x4c: {  	_ =	shalt  }
0x4d: {  	_ =	shalt  }
0x4e: {  	_ =	shalt  }
0x4f: {  	_ =	shalt  }
0x50: {  	_ =	shalt  }
0x51: {  	_ =	shalt  }
0x52: {  	_ =	shalt  }
0x53: {  	_ =	shalt  }
0x54: {  	_ =	shalt  }
0x55: {  	_ =	shalt  }
0x56: {  	_ =	shalt  }
0x57: {  	_ =	shalt  }
0x58: {  	_ =	shalt  }
0x59: {  	_ =	shalt  }
0x5a: {  	_ =	shalt  }
0x5b: {  	_ =	shalt  }
0x5c: {  	_ =	shalt  }
0x5d: {  	_ =	shalt  }
0x5e: {  	_ =	shalt  }
0x5f: {  	_ =	shalt  }
0x60: {  	_ =	shalt  }
0x61: {  	_ =	shalt  }
0x62: {  	_ =	shalt  }
0x63: {  	_ =	shalt  }
0x64: {  	_ =	shalt  }
0x65: {  	_ =	shalt  }
0x66: {  	_ =	shalt  }
0x67: {  	_ =	shalt  }
0x68: {  	_ =	shalt  }
0x69: {  	_ =	shalt  }
0x6a: {  	_ =	shalt  }
0x6b: {  	_ =	shalt  }
0x6c: {  	_ =	shalt  }
0x6d: {  	_ =	shalt  }
0x6e: {  	_ =	shalt  }
0x6f: {  	_ =	shalt  }
0x70: {  	_ =	shalt  }
0x71: {  	_ =	shalt  }
0x72: {  	_ =	shalt  }
0x73: {  	_ =	shalt  }
0x74: {  	_ =	shalt  }
0x75: {  	_ =	shalt  }
0x76: {  	_ =	shalt  }
0x77: {  	_ =	shalt  }
0x78: {  	_ =	shalt  }
0x79: {  	_ =	shalt  }
0x7a: {  	_ =	shalt  }
0x7b: {  	_ =	shalt  }
0x7c: {  	_ =	shalt  }
0x7d: {  	_ =	shalt  }
0x7e: {  	_ =	shalt  }
0x7f: {  	_ =	shalt  }
0x80: {  	_ =	shalt  }
0x81: {  	_ =	shalt  }
0x82: {  	_ =	shalt  }
0x83: {  	_ =	shalt  }
0x84: {  	_ =	shalt  }
0x85: {  	_ =	shalt  }
0x86: {  	_ =	shalt  }
0x87: {  	_ =	shalt  }
.Lfunc_end0:
.L_simem_size_0:
called_computation_lowered:
.L_overlay_start_0:
0x88: {  	s2 =	sld [smem:$0x3FD9]  }
0x89: {  	s3 =	sld [smem:$0x3FFE];
	_ =	sdelay $0x1  }
0x8a: {  	s1 =	srdreg.scid  }
0x8b: {  	s0 =	sand.u32 $0x1, s1  }
0x8c: {  	s17 =	sshll.u32 s0, $0xA;
	s2 =	sadd.s32 s3, s2  }
0x8d: {  	s2 =	sadd.s32 s2, s17  }
0x8e: {  	[smem:$0x3FC2] =	sst s2  }
0x8f: {  	_ = 	snop  }
0x90: {  	s2 =	sld [smem:$0x3FC8]  }
0x91: {  	s18 =	sld [smem:$0x3FC7]  }
0x92: {  	s4 =	sld [smem:$0x3FC6]  }
0x93: {  	s5 =	sld [smem:$0x3FC5]  }
0x94: {  	s6 =	sld [smem:$0x3FC4];
	(tm) =	ssettm $0x1  }
0x95: {  	s7 =	sld [smem:$0x3FFB];
	_ =	sdelay $0x3  }
0x96: {  	_ =	strace s7  }
0x97: {  	s7 =	sld [smem:$0x3FFC];
	_ =	sdelay $0x3  }
0x98: {  	_ =	strace s7  }
0x99: {  	s7 =	sld [smem:$0x3FFD];
	_ =	sdelay $0x3  }
0x9a: {  	_ =	strace s7  }
0x9b: {  	_ =	strace $0x8FFFFFFF  }
0x9c: {  	s19 =	sld [smem:$0x3FDB];
	_ =	sdelay $0x1  }
0x9d: {  	s8 =	simm.s32 $_scs_section_size  }
0x9e: {  	s9 =	simm.s32 $_size__tile_overlayer_lowered;
	s10 =	simm.s32 $_tile_overlayer_lowered  }
0x9f: {  	s22 =	simm.s32 $0x1BFF;
	s21 =	sshll.u32 s10, $0x1;
	s7 =	sadd.s32 s8, s19  }
0xa0: {  	s11 =	simm.s32 $0x0;
	s20 =	sshll.u32 s9, $0x1;
	s9 =	sadd.s32 s21, s7  }
0xa1: {  	[timem:s11], [sflag:s22] =	dma.local [hbm:s9], s20  }
0xa2: {  	_ =	swait.ge [sflag:s22], s20  }
0xa3: {  	s8 =	ssub.s32 $0x0, s20;
	[sflag:s22] =	ssyncset.done $0x0  }
0xa4: {  	[sflag:s22] =	ssyncadd.s32 s8;
	_ =	sdelay $0x1  }
0xa5: {  	s23 =	simm.s32 $0x1B8B  }
0xa6: {  	_ =	swait.ge [sflag:s23], $0x1  }
0xa7: {  	[sflag:s23] =	ssyncset.done $0x0  }
0xa8: {  	s25 =	simm.s32 $0x1B8E;
	s24 =	sld [smem:$0x3FFE];
	[sflag:s23] =	ssyncadd.s32 $0xFFFFFFFF  }
0xa9: {  	s26 =	simm.s32 $execute0_lowered;
	[smem:$0x3FD2] =	sst s25  }
0xaa: {  	s9 =	sshll.u32 s26, $0x1;
	_ =	strace $0x80000046;
	[dreg:$0x1] =	wrdreg $0xFFFFFFFF  }
0xab: {  	s28 =	simm.s32 $_size_execute0_lowered;
	s7 =	sadd.s32 s7, s9;
	[dreg:$0x0] =	wrdreg $0x0  }
0xac: {  	s9 =	sshll.u32 s28, $0x1;
	[dreg:$0x2] =	wrdreg s7  }
0xad: {  	[dreg:$0x3] =	wrdreg s9  }
0xae: {  	[dreg:$0x4] =	wrdreg $0xC0  }
0xaf: {  	_ =	task [dreg:s11], $0x5FFFF  }
0xb0: {  	[dreg:$0x1] =	wrdreg $0xFFFFFFFF  }
0xb1: {  	[dreg:$0x0] =	wrdreg $0x60  }
0xb2: {  	[dreg:$0x2] =	wrdreg s2  }
0xb3: {  	[dreg:$0x3] =	wrdreg s18  }
0xb4: {  	[dreg:$0x4] =	wrdreg s4  }
0xb5: {  	[dreg:$0x5] =	wrdreg s5  }
0xb6: {  	[dreg:$0x6] =	wrdreg s6  }
0xb7: {  	[dreg:$0x7] =	wrdreg s24  }
0xb8: {  	[dreg:$0x8] =	wrdreg $0x9  }
0xb9: {  	_ =	task.clear_ibuf [dreg:s11], $0x9FFFF;
	_ =	strace $0x90000046  }
0xba: {  	s29 =	simm.s32 $0x9;
	_ =	strace $0x80000048  }
0xbb: {  	_ =	swait.ge [sflag:s29], $0x1  }
0xbc: {  	[sflag:s29] =	ssyncadd.s32 $0xFFFFFFFF  }
0xbd: {  	_ =	strace $0x90000048  }
0xbe: {  	_ =	sfence  }
0xbf: {  	s30 =	sld [smem:$0x0];
	_ =	sdelay $0x2  }
0xc0: {  	s31 =	sshll.u32 s1, $0xD;
	s1 =	sshrl.u32 s1, $0x2  }
0xc1: {  	s3 =	sand.u32 $0x4000, s31;
	s1 =	sadd.s32 s1, s30  }
0xc2: {  	s0 =	sor.u32 s3, s0;
	s1 =	sshll.u32 s1, $0x11  }
0xc3: {  	s0 =	sor.u32 s1, s0  }
0xc4: {  	s0 =	sadd.s32 $0x8F2B, s0  }
0xc5: {  	[sflag:s0] =	ssyncadd.remote.s32 $0x1  }
0xc6: {  	_ =	sfence.sel $0xFFFF  }
0xc7: {  	[dreg:$0x0] =	wrdreg $0xFFFFFFFF;
	(pc) =	sbr.abs _section_cstart, $3  }
0xc8: {  	[dreg:$0x1] =	wrdreg $0xFFFFFFFF  }
0xc9: {  	_ =	task.clear_ibuf [dreg:s11], $0x2FFFF;
	_ =	strace $0x9FFFFFFF  }
0xca: {  	(tm) =	ssettm $0x7FFFFFFF  }
0xcb: {  	_ =	shalt  }
tec
execute0_lowered:
.L_overlay_start_1:
0x0: {  	(tag) =	ssettag $0x1  }
0x1: {  	s6 =	rddreg [dreg:$0x0]  }
0x2: {  	s8 =	rddreg [dreg:$0x1]  }
0x3: {  	s1 =	rddreg [dreg:$0x2]  }
0x4: {  	s2 =	rddreg [dreg:$0x3];
	s3 =	srdreg.scid  }
0x5: {  	s4 =	rddreg [dreg:$0x4];
	s0 =	stileid.u32;
	s19 =	sand.u32 $0x1, s3  }
0x6: {  	s18 =	rddreg [dreg:$0x5];
	s7 =	sshll.u32 s0, $0x8;
	s9 =	sshll.u32 s19, $0x7  }
0x7: {  	s5 =	simm.s32 $0x0;
	s3 =	rddreg [dreg:$0x6];
	s20 =	sor.u32 s9, s7  }
0x8: {  	[smem:$0x7FF] =	sst s5;
	s17 =	sshrl.u32 s20, $0x3  }
0x9: {  	_ =	strace $0x80000047;
	s7 =	sadd.s32 s6, s17;
	s6 =	simm.s32 $0x3  }
0xa: {  	[tilespmem:s5], [sflag:$0x3] =	stream.linear.gather [hbm4b:s7+s5], $0x80, $0x38;
	[tilespmem:$0xC200] =	vst v63  }
0xb: {  	_ =	swait.ge [sflag:s6], $0x80  }
0xc: {  	[sflag:s6] =	ssyncset.done $0x0  }
0xd: {  	s9 =	simm.s32 $0x80;
	s8 =	sadd.s32 s8, s17;
	[sflag:s6] =	ssyncadd.s32 $0xFFFFFF80  }
0xe: {  	[tilespmem:s9], [sflag:$0x3] =	stream.linear.gather [hbm4b:s8+s5], $0x80, $0x38;
	[tilespmem:$0xC200] =	vst v63  }
0xf: {  	_ =	swait.ge [sflag:s6], $0x80  }
0x10: {  	[sflag:s6] =	ssyncset.done $0x0  }
0x11: {  	s10 =	simm.s32 $0x100;
	[sflag:s6] =	ssyncadd.s32 $0xFFFFFF80  }
0x12: {  	[tilespmem:s10], [sflag:$0x1] =	stream.indirect.gather [hbm4b:s4+s9], $0x1, s5, s9, $0xb8;
	[tilespmem:$0xC200] =	vst v63  }
0x13: {  	s11 =	simm.s32 $0x180  }
0x14: {  	[tilespmem:s11], [sflag:$0x2] =	stream.indirect.gather [hbm4b:s2+s9], $0x1, s5, s9, $0xb8;
	[tilespmem:$0xC200] =	vst v63  }
0x15: {  	s12 =	simm.s32 $0x200  }
0x16: {  	[tilespmem:s12], [sflag:$0x2] =	stream.indirect.gather [hbm4b:s1+s9], $0x80, s5, s9, $0xb8;
	[tilespmem:$0xC200] =	vst v63  }
0x17: {  	s13 =	simm.s32 $0x4200;
	s14 =	simm.s32 $0x1  }
0x18: {  	[tilespmem:s13], [sflag:$0x2] =	stream.indirect.gather [hbm4b:s1+s9], $0x80, s9, s9, $0xb8;
	[tilespmem:$0xC200] =	vst v63  }
0x19: {  	_ =	swait.ge [sflag:s14], $0x80  }
0x1a: {  	[sflag:s14] =	ssyncset.done $0x0  }
0x1b: {  	s15 =	simm.s32 $0x8200;
	s16 =	simm.s32 $0x2;
	[sflag:s14] =	ssyncadd.s32 $0xFFFFFF80  }
0x1c: {  	[tilespmem:s15], [sflag:$0x2] =	stream.indirect.gather [hbm4b:s1+s9], $0x80, s10, s9, $0xb8;
	[tilespmem:$0xC200] =	vst v63  }
0x1d: {  	_ =	swait.ge [sflag:s16], $0x80  }
0x1e: {  	[sflag:s16] =	ssyncset.done $0x0  }
0x1f: {  	[sflag:s16] =	ssyncadd.s32 $0xFFFFFF80  }
0x20: {  	_ =	swait.ge [sflag:s16], $0x4000  }
0x21: {  	[sflag:s16] =	ssyncset.done $0x0  }
0x22: {  	[sflag:s16] =	ssyncadd.s32 $0xFFFFC000  }
0x23: {  	_ =	swait.ge [sflag:s16], $0x4000  }
0x24: {  	[sflag:s16] =	ssyncset.done $0x0  }
0x25: {  	[sflag:s16] =	ssyncadd.s32 $0xFFFFC000  }
0x26: {  	_ =	swait.ge [sflag:s16], $0x4000  }
0x27: {  	s17 =	sadd.s32 s17, s18;
	[sflag:s16] =	ssyncset.done $0x0  }
0x28: {  	s17 =	sadd.s32 $0x1600, s17;
	[sflag:s16] =	ssyncadd.s32 $0xFFFFC000  }
0x29: {  	[hbm4b:s17+s5] =	stream.linear.scatter [tilespmem:s11], [sflag:$0x3], $0x80, $0x38;
	[tilespmem:$0xC200] =	vst v63  }
0x2a: {  	s20 =	sshll.u32 s20, $0x4;
	_ =	swait.ge [sflag:s6], $0x80  }
0x2b: {  	s20 =	sadd.s32 s20, s18;
	[sflag:s6] =	ssyncset.done $0x0  }
0x2c: {  	s21 =	ssub.s32 $0x2, s19;
	s18 =	sadd.s32 $0x1800, s20;
	[sflag:s6] =	ssyncadd.s32 $0xFFFFFF80  }
0x2d: {  	[hbm4b:s18+s5] =	stream.linear.scatter [tilespmem:s12], [sflag:$0x3], $0x4000, $0x38;
	[tilespmem:$0xC200] =	vst v63  }
0x2e: {  	s22 =	sshrl.u32 s21, $0x1;
	_ =	swait.ge [sflag:s6], $0x4000  }
0x2f: {  	s21 =	ssub.s32 s21, s22;
	[sflag:s6] =	ssyncset.done $0x0  }
0x30: {  	s21 =	smax.u32 s21, $0x1;
	s19 =	sadd.s32 $0x11800, s20;
	[sflag:s6] =	ssyncadd.s32 $0xFFFFC000  }
0x31: {  	[hbm4b:s19+s5] =	stream.linear.scatter [tilespmem:s13], [sflag:$0x3], $0x4000, $0x38;
	[tilespmem:$0xC200] =	vst v63  }
0x32: {  	p0 =	sne.s32 s21, $0x1;
	_ =	swait.ge [sflag:s6], $0x4000  }
.Ltmp0:
0x33: {  	[sflag:s6] =	ssyncset.done $0x0;
	(pc) =	sbr.rel @!p0 .LBB2_2-.Ltmp0, $4  }
0x34: {  	s20 =	sadd.s32 $0x21800, s20;
	[sflag:s6] =	ssyncadd.s32 $0xFFFFC000  }
0x35: {  	[hbm4b:s20+s5] =	stream.linear.scatter [tilespmem:s15], [sflag:$0x3], $0x4000, $0x38;
	[tilespmem:$0xC200] =	vst v63  }
0x36: {  	_ =	swait.ge [sflag:s6], $0x4000  }
0x37: {  	s21 =	sadd.s32 $0xFFFFFFFF, s21;
	[sflag:s6] =	ssyncset.done $0x0  }
.LBB2_1:
0x38: {  	p0 =	sne.s32 s21, $0x1;
	s21 =	sadd.s32 $0xFFFFFFFF, s21;
	[sflag:s6] =	ssyncadd.s32 $0xFFFFC000  }
0x39: {  	[tilespmem:s5], [sflag:$0x3] =	stream.linear.gather [hbm4b:s7+s5], $0x80, $0x38;
	[tilespmem:$0xC200] =	vst v63  }
0x3a: {  	_ =	swait.ge [sflag:s6], $0x80  }
0x3b: {  	[sflag:s6] =	ssyncset.done $0x0  }
0x3c: {  	[sflag:s6] =	ssyncadd.s32 $0xFFFFFF80  }
0x3d: {  	[tilespmem:s9], [sflag:$0x3] =	stream.linear.gather [hbm4b:s8+s5], $0x80, $0x38;
	[tilespmem:$0xC200] =	vst v63  }
0x3e: {  	_ =	swait.ge [sflag:s6], $0x80  }
0x3f: {  	[sflag:s6] =	ssyncset.done $0x0  }
0x40: {  	[sflag:s6] =	ssyncadd.s32 $0xFFFFFF80  }
0x41: {  	[tilespmem:s10], [sflag:$0x1] =	stream.indirect.gather [hbm4b:s4+s9], $0x1, s5, s9, $0xb8;
	[tilespmem:$0xC200] =	vst v63  }
0x42: {  	_ = 	snop  }
0x43: {  	[tilespmem:s11], [sflag:$0x2] =	stream.indirect.gather [hbm4b:s2+s9], $0x1, s5, s9, $0xb8;
	[tilespmem:$0xC200] =	vst v63  }
0x44: {  	_ = 	snop  }
0x45: {  	[tilespmem:s12], [sflag:$0x2] =	stream.indirect.gather [hbm4b:s1+s9], $0x80, s5, s9, $0xb8;
	[tilespmem:$0xC200] =	vst v63  }
0x46: {  	_ = 	snop  }
0x47: {  	[tilespmem:s13], [sflag:$0x2] =	stream.indirect.gather [hbm4b:s1+s9], $0x80, s9, s9, $0xb8;
	[tilespmem:$0xC200] =	vst v63  }
0x48: {  	_ =	swait.ge [sflag:s14], $0x80  }
0x49: {  	[sflag:s14] =	ssyncset.done $0x0  }
0x4a: {  	[sflag:s14] =	ssyncadd.s32 $0xFFFFFF80  }
0x4b: {  	[tilespmem:s15], [sflag:$0x2] =	stream.indirect.gather [hbm4b:s1+s9], $0x80, s10, s9, $0xb8;
	[tilespmem:$0xC200] =	vst v63  }
0x4c: {  	_ =	swait.ge [sflag:s16], $0x80  }
0x4d: {  	[sflag:s16] =	ssyncset.done $0x0  }
0x4e: {  	[sflag:s16] =	ssyncadd.s32 $0xFFFFFF80  }
0x4f: {  	_ =	swait.ge [sflag:s16], $0x4000  }
0x50: {  	[sflag:s16] =	ssyncset.done $0x0  }
0x51: {  	[sflag:s16] =	ssyncadd.s32 $0xFFFFC000  }
0x52: {  	_ =	swait.ge [sflag:s16], $0x4000  }
0x53: {  	[sflag:s16] =	ssyncset.done $0x0  }
0x54: {  	[sflag:s16] =	ssyncadd.s32 $0xFFFFC000  }
0x55: {  	_ =	swait.ge [sflag:s16], $0x4000  }
0x56: {  	[sflag:s16] =	ssyncset.done $0x0  }
0x57: {  	[sflag:s16] =	ssyncadd.s32 $0xFFFFC000  }
0x58: {  	[hbm4b:s17+s5] =	stream.linear.scatter [tilespmem:s11], [sflag:$0x3], $0x80, $0x38;
	[tilespmem:$0xC200] =	vst v63  }
0x59: {  	_ =	swait.ge [sflag:s6], $0x80  }
0x5a: {  	[sflag:s6] =	ssyncset.done $0x0  }
0x5b: {  	[sflag:s6] =	ssyncadd.s32 $0xFFFFFF80  }
0x5c: {  	[hbm4b:s18+s5] =	stream.linear.scatter [tilespmem:s12], [sflag:$0x3], $0x4000, $0x38;
	[tilespmem:$0xC200] =	vst v63  }
0x5d: {  	_ =	swait.ge [sflag:s6], $0x4000  }
0x5e: {  	[sflag:s6] =	ssyncset.done $0x0  }
0x5f: {  	[sflag:s6] =	ssyncadd.s32 $0xFFFFC000  }
0x60: {  	[hbm4b:s19+s5] =	stream.linear.scatter [tilespmem:s13], [sflag:$0x3], $0x4000, $0x38;
	[tilespmem:$0xC200] =	vst v63  }
0x61: {  	_ =	swait.ge [sflag:s6], $0x4000  }
.Ltmp1:
0x62: {  	[sflag:s6] =	ssyncset.done $0x0;
	(pc) =	sbr.rel @p0 .LBB2_1-.Ltmp1, $4  }
0x63: {  	[sflag:s6] =	ssyncadd.s32 $0xFFFFC000  }
0x64: {  	[hbm4b:s20+s5] =	stream.linear.scatter [tilespmem:s15], [sflag:$0x3], $0x4000, $0x38;
	[tilespmem:$0xC200] =	vst v63  }
0x65: {  	_ =	swait.ge [sflag:s6], $0x4000  }
0x66: {  	[sflag:s6] =	ssyncset.done $0x0  }
.LBB2_2:
0x67: {  	[sflag:s6] =	ssyncadd.s32 $0xFFFFC000  }
0x68: {  	_ =	sfence.sel $0x180000  }
0x69: {  	[bflag:$0x0] =	sbarrier.arrive $0xFFFF  }
0x6a: {  	p0 =	sne.s32 s0, $0x0;
	_ =	strace $0x90000047  }
0x6b: {  	s0 =	sadd.s32 @!p0 $0x100000, s3;
	[bflag:$0x2] =	sbarrier.arrive $0xFFFF  }
0x6c: {  	[sflag:s0] =	ssyncadd.tile.s32 @!p0 $0x1;
	_ =	shalt  }
.Lfunc_end2:
_tile_overlayer_lowered:
.L_overlay_start_2:
0x6d: {  	(tag) =	ssettag $0x2  }
0x6e: {  	s0 =	rddreg [dreg:$0x0];
	s2 =	stileid.u32  }
0x6f: {  	s1 =	rddreg [dreg:$0x1];
	p0 =	sne.s32 s2, $0x0  }
0x70: {  	s3 =	rddreg [dreg:$0x2];
	[bflag:$0x3] =	sbarrier.arrive $0xFFFF;
	s2 =	simm.s32 @!p0 $0x1C03  }
0x71: {  	[timem:s3], [sflag:s2] =	dma.local @!p0 [hbm:s0], s1  }
0x72: {  	s0 =	simm.s32 @!p0 $0x3  }
0x73: {  	_ =	swait.ge @!p0 [sflag:s0], s1  }
0x74: {  	s1 =	ssub.s32 @!p0 $0x0, s1;
	[sflag:s0] =	ssyncset.done @!p0 $0x0  }
0x75: {  	[sflag:s0] =	ssyncadd.s32 @!p0 s1  }
0x76: {  	[bflag:$0x3] =	sbarrier.arrive $0xFFFF  }
0x77: {  	_ =	shalt  }

</sc_bundles>
